<compile_context>
chip_gen: v7x
topology: tpu7x:2x2x1
jax: 0.10.2.dev20260603
libtpu: 0.0.44.dev20260713+nightly
codegen_flags: <defaults>
</compile_context>

<pallas_src>
import functools

import jax
import jax.numpy as jnp
from jax import lax
from jax.experimental import pallas as pl
from jax.experimental.pallas import tpu as pltpu
from jax.experimental.pallas import tpu_sc as plsc

N = 10000
E = 320000
D = 128

NC = 2
NS = 16
E_PER_SC = E // NC
E_PER_W = E_PER_SC // NS
N_PAD = 10240
RPT = N_PAD // NS

SEG_CHUNK = 100
SEG_ITERS = 100
E_PER_W_PAD = SEG_ITERS * SEG_CHUNK
ACC_ROWS = N + 8

HIST_CHUNK = 2000
HIST_ITERS = E_PER_W // HIST_CHUNK
HW = 16

_sc_mesh = plsc.VectorSubcoreMesh(core_axis_name="c", subcore_axis_name="s")
_sc_params = pltpu.CompilerParams(use_tc_tiling_on_sc=False)


@functools.partial(
    pl.kernel,
    out_type=jax.ShapeDtypeStruct((NC, N_PAD, HW), jnp.float32),
    mesh=_sc_mesh,
    scratch_types=[
        pltpu.VMEM((HIST_CHUNK,), jnp.int32),
        pltpu.VMEM((HIST_CHUNK, HW), jnp.float32),
        pltpu.VMEM((RPT, HW), jnp.float32),
        pltpu.VMEM_SHARED((N_PAD, HW), jnp.float32),
    ],
    compiler_params=_sc_params,
)
def _sc_hist(dst_hbm, out_hbm, dst_v, ones_v, zero_v, acc):
    c = lax.axis_index("c")
    s = lax.axis_index("s")

    one16 = jnp.ones((16,), jnp.float32)
    zer16 = jnp.zeros((16,), jnp.float32)

    @pl.loop(0, HIST_CHUNK)
    def _(i):
        ones_v[i, :] = one16

    @pl.loop(0, RPT)
    def _(i):
        zero_v[i, :] = zer16

    pltpu.sync_copy(zero_v, acc.at[pl.ds(s * RPT, RPT)])
    plsc.subcore_barrier()

    base = c * E_PER_SC + s * E_PER_W

    @pl.loop(0, HIST_ITERS)
    def _(i):
        pltpu.sync_copy(dst_hbm.at[pl.ds(base + i * HIST_CHUNK, HIST_CHUNK)],
                        dst_v)
        pltpu.sync_copy(ones_v, acc.at[dst_v], add=True)

    plsc.subcore_barrier()
    row0 = s * RPT
    pltpu.sync_copy(acc.at[pl.ds(row0, RPT)],
                    out_hbm.at[c, pl.ds(row0, RPT)])


@functools.partial(
    pl.kernel,
    out_type=jax.ShapeDtypeStruct((NC, ACC_ROWS, D), jnp.float32),
    mesh=_sc_mesh,
    scratch_types=(
        [pltpu.VMEM((SEG_ITERS, SEG_CHUNK), jnp.int32),
         pltpu.VMEM((SEG_ITERS, SEG_CHUNK), jnp.int32)]
        + [pltpu.VMEM((SEG_CHUNK, D), jnp.float32) for _ in range(2)]
        + [pltpu.VMEM_SHARED((ACC_ROWS, D), jnp.float32)]
        + [pltpu.SemaphoreType.DMA for _ in range(4)]
    ),
    compiler_params=_sc_params,
)
def _sc_seg(hs_hbm, src4_hbm, dst4_hbm, out_hbm,
            src_half, dst_half, r0, r1, acc, g0, g1, s0, s1):
    c = lax.axis_index("c")
    s = lax.axis_index("s")
    w = c * NS + s

    rows = (r0, r1)
    gsem = (g0, g1)
    ssem = (s0, s1)

    def start_gather(j, b):
        pltpu.async_copy(hs_hbm.at[src_half.at[j]], rows[b], gsem[b])

    def wait_gather(b):
        pltpu.make_async_copy(hs_hbm.at[src_half.at[0]], rows[b],
                              gsem[b]).wait()

    def start_scatter(j, b):
        pltpu.async_copy(rows[b], acc.at[dst_half.at[j]], ssem[b], add=True)

    def wait_scatter(b):
        pltpu.make_async_copy(rows[b], acc.at[dst_half.at[0]],
                              ssem[b]).wait()

    pltpu.sync_copy(src4_hbm.at[w], src_half)
    pltpu.sync_copy(dst4_hbm.at[w], dst_half)

    zer16 = jnp.zeros((16,), jnp.float32)

    @pl.loop(0, SEG_CHUNK)
    def _(i):
        for j in range(D // 16):
            r0[i, pl.ds(j * 16, 16)] = zer16

    zbase = s * (N // NS)
    nz = 625 // SEG_CHUNK
    for k in range(nz):
        pltpu.sync_copy(r0.at[pl.ds(0, SEG_CHUNK)],
                        acc.at[pl.ds(zbase + k * SEG_CHUNK, SEG_CHUNK)])
    pltpu.sync_copy(r0.at[pl.ds(0, 625 - nz * SEG_CHUNK)],
                    acc.at[pl.ds(zbase + nz * SEG_CHUNK, 625 - nz * SEG_CHUNK)])
    plsc.subcore_barrier()

    start_gather(0, 0)
    start_gather(1, 1)
    wait_gather(0)
    start_scatter(0, 0)
    wait_gather(1)
    start_scatter(1, 1)

    @pl.loop(1, SEG_ITERS // 2)
    def _(t):
        for b in range(2):
            j = 2 * t + b
            wait_scatter(b)
            start_gather(j, b)
        for b in range(2):
            wait_gather(b)
            start_scatter(2 * t + b, b)

    wait_scatter(0)
    wait_scatter(1)

    plsc.subcore_barrier()
    row0 = s * (N // NS)
    pltpu.sync_copy(acc.at[pl.ds(row0, N // NS)],
                    out_hbm.at[c, pl.ds(row0, N // NS)])


_BR = 1000
_GRID = N // _BR


def _prep_body(x_ref, w1_ref, d0_ref, d1_ref, hs_ref, dinvb_ref):
    deg = d0_ref[:, 0:1] + d1_ref[:, 0:1] + 1.0
    dinv = lax.rsqrt(deg)
    dinvb = jnp.broadcast_to(dinv, (_BR, D))
    h1 = jnp.dot(x_ref[...], w1_ref[...], preferred_element_type=jnp.float32)
    hs_ref[...] = h1 * dinvb
    dinvb_ref[...] = dinvb


def _mid_body(sa_ref, sb_ref, hs_ref, dinvb_ref, w2_ref, b1_ref,
              hs2_ref):
    dinvb = dinvb_ref[...]
    h = dinvb * (sa_ref[...] + sb_ref[...] + hs_ref[...]) + b1_ref[...]
    h = jnp.maximum(h, 0.0)
    h2 = jnp.dot(h, w2_ref[...], preferred_element_type=jnp.float32)
    hs2_ref[...] = h2 * dinvb


def _final_body(sa_ref, sb_ref, hs2_ref, dinvb_ref, b2_ref, out_ref):
    o = dinvb_ref[...] * (sa_ref[...] + sb_ref[...] + hs2_ref[...]) + b2_ref[...]
    m = jnp.max(o, axis=1, keepdims=True)
    z = o - m
    lse = jnp.log(jnp.sum(jnp.exp(z), axis=1, keepdims=True))
    out_ref[...] = z - lse


def _row_spec(w):
    return pl.BlockSpec((_BR, w), lambda i: (i, 0))


def _full_spec(h, w):
    return pl.BlockSpec((h, w), lambda i: (0, 0))


_prep = pl.pallas_call(
    _prep_body,
    grid=(_GRID,),
    in_specs=[_row_spec(D), _full_spec(D, D), _row_spec(HW), _row_spec(HW)],
    out_specs=[_row_spec(D), _row_spec(D)],
    out_shape=[jax.ShapeDtypeStruct((N, D), jnp.float32),
               jax.ShapeDtypeStruct((N, D), jnp.float32)],
)

_mid = pl.pallas_call(
    _mid_body,
    grid=(_GRID,),
    in_specs=[_row_spec(D), _row_spec(D), _row_spec(D), _row_spec(D),
              _full_spec(D, D), _full_spec(1, D)],
    out_specs=_row_spec(D),
    out_shape=jax.ShapeDtypeStruct((N, D), jnp.float32),
)

_final = pl.pallas_call(
    _final_body,
    grid=(_GRID,),
    in_specs=[_row_spec(D), _row_spec(D), _row_spec(D), _row_spec(D),
              _full_spec(1, D)],
    out_specs=_row_spec(D),
    out_shape=jax.ShapeDtypeStruct((N, D), jnp.float32),
)


@jax.jit
def kernel(x, edge_index, W1, b1, W2, b2):
    src = edge_index[0]
    dst = edge_index[1]

    nw = NC * NS
    pad = E_PER_W_PAD - E_PER_W
    src4 = jnp.pad(src.reshape(nw, E_PER_W),
                   ((0, 0), (0, pad))).reshape(nw, SEG_ITERS, SEG_CHUNK)
    dst4 = jnp.pad(dst.reshape(nw, E_PER_W), ((0, 0), (0, pad)),
                   constant_values=N).reshape(nw, SEG_ITERS, SEG_CHUNK)

    degp = _sc_hist(dst)
    hs1, dinvb = _prep(x, W1, degp[0], degp[1])

    seg1 = _sc_seg(hs1, src4, dst4)
    hs2 = _mid(seg1[0], seg1[1], hs1, dinvb, W2, b1.reshape(1, D))

    seg2 = _sc_seg(hs2, src4, dst4)
    return _final(seg2[0], seg2[1], hs2, dinvb, b2.reshape(1, D))

# --- scband reference (transcript-rebuilt; emitter-appended) ---
"""Pipeline reference for scband-gcn-87780541596204 (READ-ONLY COPY).

The authoritative reference and input builder live on the scoring server;
editing this copy changes nothing except your own understanding.
"""

import jax, jax.numpy as jnp
import numpy as np

N = 10000
E = 320000
D_IN = 128
D_HID = 128
D_OUT = 128


def setup_inputs(seed: int = 0) -> dict:
    key = jax.random.key(seed)
    k1, k2, k3, k4 = jax.random.split(key, 4)
    x = jax.random.normal(k1, (N, D_IN), dtype=jnp.float32)
    edge_index = jax.random.randint(k2, (2, E), 0, N, dtype=jnp.int32)
    W1 = jax.random.normal(k3, (D_IN, D_HID), dtype=jnp.float32) * (1.0 / np.sqrt(D_IN))
    b1 = jnp.zeros((D_HID,), dtype=jnp.float32)
    W2 = jax.random.normal(k4, (D_HID, D_OUT), dtype=jnp.float32) * (1.0 / np.sqrt(D_HID))
    b2 = jnp.zeros((D_OUT,), dtype=jnp.float32)
    return {"x": x, "edge_index": edge_index, "W1": W1, "b1": b1, "W2": W2, "b2": b2}


def _gcn_conv(x, edge_index, W, b):
    # GCNConv with normalize=True, add_self_loops=True (PyG defaults)
    n = x.shape[0]
    x = x @ W
    loops = jnp.arange(n, dtype=edge_index.dtype)
    src = jnp.concatenate([edge_index[0], loops])
    dst = jnp.concatenate([edge_index[1], loops])
    deg = jnp.zeros((n,), dtype=x.dtype).at[dst].add(1.0)
    dinv = jnp.where(deg > 0, jax.lax.rsqrt(deg), 0.0)
    norm = dinv[src] * dinv[dst]
    msg = x[src] * norm[:, None]
    out = jax.ops.segment_sum(msg, dst, num_segments=n)
    return out + b


def reference(x, edge_index, W1, b1, W2, b2):
    h = _gcn_conv(x, edge_index, W1, b1)
    h = jax.nn.relu(h)
    # dropout is identity in eval mode (training=False)
    o = _gcn_conv(h, edge_index, W2, b2)
    return jax.nn.log_softmax(o, axis=1)

if __name__ == "__main__":
    import jax
    _d = setup_inputs()
    print(jax.jit(kernel)(*tuple(_d.values())))

</pallas_src>

<mosaic_0001>
#map = affine_map<(d0, d1) -> (0, 0)>
#map1 = affine_map<(d0, d1) -> (0, 0, 0)>
module attributes {stable_mosaic.version = 14 : i64} {
  func.func @_sc_seg(%arg0: i32, %arg1: i32, %arg2: memref<10000x128xf32, #tpu.memory_space<hbm>>, %arg3: memref<32x100x100xi32, #tpu.memory_space<hbm>>, %arg4: memref<32x100x100xi32, #tpu.memory_space<hbm>>, %arg5: memref<2x10008x128xf32, #tpu.memory_space<hbm>>, %arg6: memref<100x100xi32, #tpu.memory_space<vmem>>, %arg7: memref<100x100xi32, #tpu.memory_space<vmem>>, %arg8: memref<100x128xf32, #tpu.memory_space<vmem>>, %arg9: memref<100x128xf32, #tpu.memory_space<vmem>>, %arg10: memref<10008x128xf32, #tpu.memory_space<vmem_shared>>, %arg11: memref<!tpu.dma_semaphore, #tpu.memory_space<semaphore_mem>>, %arg12: memref<!tpu.dma_semaphore, #tpu.memory_space<semaphore_mem>>, %arg13: memref<!tpu.dma_semaphore, #tpu.memory_space<semaphore_mem>>, %arg14: memref<!tpu.dma_semaphore, #tpu.memory_space<semaphore_mem>>) attributes {dimension_semantics = [#tpu.dimension_semantics<core_parallel>, #tpu.dimension_semantics<subcore_parallel>], iteration_bounds = array<i64: 2, 16>, scalar_prefetch = 0 : i64, scratch_operands = 9 : i64, tpu.core_type = #tpu.core_type<sc_vector_subcore>, window_params = [{transform_indices = #map}, {transform_indices = #map1}, {transform_indices = #map1}, {transform_indices = #map1}]} {
    %mul3A = arith.constant 16 : i32
    %mul3A_0 = arith.muli %arg0, %mul3A : i32
    %add3A = arith.addi %mul3A_0, %arg1 : i32
    "tpu.region"() ({
      %run_scoped3A = tpu.sem_alloc : memref<!tpu.dma_semaphore, #tpu.memory_space<semaphore_mem>>
      %dma_start3A_84 = arith.constant 0 : i32
      %dma_start3A_85 = arith.constant 0 : i32
      %dma_start3A_86 = tpu.memref_slice %arg3[%add3A, %dma_start3A_84, %dma_start3A_85] : memref<32x100x100xi32, #tpu.memory_space<hbm>> -> memref<1x100x100xi32, #tpu.memory_space<hbm>>
      %dma_start3A_87 = tpu.memref_squeeze %dma_start3A_86 : memref<1x100x100xi32, #tpu.memory_space<hbm>> -> memref<100x100xi32, #tpu.memory_space<hbm>>
      %dma_start3A_88 = arith.constant 0 : i32
      %dma_start3A_89 = arith.constant 0 : i32
      %dma_start3A_90 = tpu.memref_slice %arg3[%add3A, %dma_start3A_88, %dma_start3A_89] : memref<32x100x100xi32, #tpu.memory_space<hbm>> -> memref<1x100x100xi32, #tpu.memory_space<hbm>>
      %dma_start3A_91 = tpu.memref_squeeze %dma_start3A_90 : memref<1x100x100xi32, #tpu.memory_space<hbm>> -> memref<100x100xi32, #tpu.memory_space<hbm>>
      tpu.enqueue_dma source(%dma_start3A_91 : memref<100x100xi32, #tpu.memory_space<hbm>>) target(%arg6 : memref<100x100xi32, #tpu.memory_space<vmem>>) target_semaphore(%run_scoped3A : memref<!tpu.dma_semaphore, #tpu.memory_space<semaphore_mem>>)
      %dma_wait3A_92 = arith.constant 0 : i32
      %dma_wait3A_93 = arith.constant 0 : i32
      %dma_wait3A_94 = tpu.memref_slice %arg3[%add3A, %dma_wait3A_92, %dma_wait3A_93] : memref<32x100x100xi32, #tpu.memory_space<hbm>> -> memref<1x100x100xi32, #tpu.memory_space<hbm>>
      %dma_wait3A_95 = tpu.memref_squeeze %dma_wait3A_94 : memref<1x100x100xi32, #tpu.memory_space<hbm>> -> memref<100x100xi32, #tpu.memory_space<hbm>>
      %dma_wait3A_96 = arith.constant 0 : i32
      %dma_wait3A_97 = arith.constant 0 : i32
      %dma_wait3A_98 = tpu.memref_slice %arg3[%add3A, %dma_wait3A_96, %dma_wait3A_97] : memref<32x100x100xi32, #tpu.memory_space<hbm>> -> memref<1x100x100xi32, #tpu.memory_space<hbm>>
      %dma_wait3A_99 = tpu.memref_squeeze %dma_wait3A_98 : memref<1x100x100xi32, #tpu.memory_space<hbm>> -> memref<100x100xi32, #tpu.memory_space<hbm>>
      tpu.wait_dma2 semaphore(%run_scoped3A : memref<!tpu.dma_semaphore, #tpu.memory_space<semaphore_mem>>) src(%dma_wait3A_99 : memref<100x100xi32, #tpu.memory_space<hbm>>) dst(%arg6 : memref<100x100xi32, #tpu.memory_space<vmem>>)
      tpu.yield
    }) : () -> ()
    "tpu.region"() ({
      %run_scoped3A = tpu.sem_alloc : memref<!tpu.dma_semaphore, #tpu.memory_space<semaphore_mem>>
      %dma_start3A_84 = arith.constant 0 : i32
      %dma_start3A_85 = arith.constant 0 : i32
      %dma_start3A_86 = tpu.memref_slice %arg4[%add3A, %dma_start3A_84, %dma_start3A_85] : memref<32x100x100xi32, #tpu.memory_space<hbm>> -> memref<1x100x100xi32, #tpu.memory_space<hbm>>
      %dma_start3A_87 = tpu.memref_squeeze %dma_start3A_86 : memref<1x100x100xi32, #tpu.memory_space<hbm>> -> memref<100x100xi32, #tpu.memory_space<hbm>>
      %dma_start3A_88 = arith.constant 0 : i32
      %dma_start3A_89 = arith.constant 0 : i32
      %dma_start3A_90 = tpu.memref_slice %arg4[%add3A, %dma_start3A_88, %dma_start3A_89] : memref<32x100x100xi32, #tpu.memory_space<hbm>> -> memref<1x100x100xi32, #tpu.memory_space<hbm>>
      %dma_start3A_91 = tpu.memref_squeeze %dma_start3A_90 : memref<1x100x100xi32, #tpu.memory_space<hbm>> -> memref<100x100xi32, #tpu.memory_space<hbm>>
      tpu.enqueue_dma source(%dma_start3A_91 : memref<100x100xi32, #tpu.memory_space<hbm>>) target(%arg7 : memref<100x100xi32, #tpu.memory_space<vmem>>) target_semaphore(%run_scoped3A : memref<!tpu.dma_semaphore, #tpu.memory_space<semaphore_mem>>)
      %dma_wait3A_92 = arith.constant 0 : i32
      %dma_wait3A_93 = arith.constant 0 : i32
      %dma_wait3A_94 = tpu.memref_slice %arg4[%add3A, %dma_wait3A_92, %dma_wait3A_93] : memref<32x100x100xi32, #tpu.memory_space<hbm>> -> memref<1x100x100xi32, #tpu.memory_space<hbm>>
      %dma_wait3A_95 = tpu.memref_squeeze %dma_wait3A_94 : memref<1x100x100xi32, #tpu.memory_space<hbm>> -> memref<100x100xi32, #tpu.memory_space<hbm>>
      %dma_wait3A_96 = arith.constant 0 : i32
      %dma_wait3A_97 = arith.constant 0 : i32
      %dma_wait3A_98 = tpu.memref_slice %arg4[%add3A, %dma_wait3A_96, %dma_wait3A_97] : memref<32x100x100xi32, #tpu.memory_space<hbm>> -> memref<1x100x100xi32, #tpu.memory_space<hbm>>
      %dma_wait3A_99 = tpu.memref_squeeze %dma_wait3A_98 : memref<1x100x100xi32, #tpu.memory_space<hbm>> -> memref<100x100xi32, #tpu.memory_space<hbm>>
      tpu.wait_dma2 semaphore(%run_scoped3A : memref<!tpu.dma_semaphore, #tpu.memory_space<semaphore_mem>>) src(%dma_wait3A_99 : memref<100x100xi32, #tpu.memory_space<hbm>>) dst(%arg7 : memref<100x100xi32, #tpu.memory_space<vmem>>)
      tpu.yield
    }) : () -> ()
    %broadcast_in_dim3A = arith.constant 0.000000e+00 : f32
    %broadcast_in_dim3A_1 = vector.broadcast %broadcast_in_dim3A : f32 to vector<16xf32>
    %scan3A = arith.constant 0 : i32
    %scan3A_2 = arith.constant 100 : i32
    %scan3A_3 = arith.addi %scan3A, %scan3A_2 : i32
    %scan3A_4 = arith.constant 1 : i32
    scf.for %scan3A_84 = %scan3A to %scan3A_3 step %scan3A_4  : i32 {
      %mul3A_85 = arith.constant 1 : i32
      %mul3A_86 = arith.muli %scan3A_84, %mul3A_85 : i32
      %add3A_87 = arith.constant 0 : i32
      %add3A_88 = arith.addi %add3A_87, %mul3A_86 : i32
      %swap3A = arith.index_cast %add3A_88 : i32 to index
      %swap3A_89 = arith.constant 0 : index
      %swap3A_90 = tpu.vector_load %arg8[%swap3A, %swap3A_89] {strides = array<i32>} : memref<100x128xf32, #tpu.memory_space<vmem>>, vector<1x16xf32>,
      %swap3A_91 = vector.shape_cast %swap3A_90 : vector<1x16xf32> to vector<16xf32>
      %swap3A_92 = vector.shape_cast %broadcast_in_dim3A_1 : vector<16xf32> to vector<1x16xf32>
      tpu.vector_store %arg8[%swap3A, %swap3A_89], %swap3A_92 {strides = array<i32>} : memref<100x128xf32, #tpu.memory_space<vmem>>, vector<1x16xf32>,
      %swap3A_93 = arith.index_cast %add3A_88 : i32 to index
      %swap3A_94 = arith.constant 16 : index
      %swap3A_95 = tpu.vector_load %arg8[%swap3A_93, %swap3A_94] {strides = array<i32>} : memref<100x128xf32, #tpu.memory_space<vmem>>, vector<1x16xf32>,
      %swap3A_96 = vector.shape_cast %swap3A_95 : vector<1x16xf32> to vector<16xf32>
      %swap3A_97 = vector.shape_cast %broadcast_in_dim3A_1 : vector<16xf32> to vector<1x16xf32>
      tpu.vector_store %arg8[%swap3A_93, %swap3A_94], %swap3A_97 {strides = array<i32>} : memref<100x128xf32, #tpu.memory_space<vmem>>, vector<1x16xf32>,
      %swap3A_98 = arith.index_cast %add3A_88 : i32 to index
      %swap3A_99 = arith.constant 32 : index
      %swap3A_100 = tpu.vector_load %arg8[%swap3A_98, %swap3A_99] {strides = array<i32>} : memref<100x128xf32, #tpu.memory_space<vmem>>, vector<1x16xf32>,
      %swap3A_101 = vector.shape_cast %swap3A_100 : vector<1x16xf32> to vector<16xf32>
      %swap3A_102 = vector.shape_cast %broadcast_in_dim3A_1 : vector<16xf32> to vector<1x16xf32>
      tpu.vector_store %arg8[%swap3A_98, %swap3A_99], %swap3A_102 {strides = array<i32>} : memref<100x128xf32, #tpu.memory_space<vmem>>, vector<1x16xf32>,
      %swap3A_103 = arith.index_cast %add3A_88 : i32 to index
      %swap3A_104 = arith.constant 48 : index
      %swap3A_105 = tpu.vector_load %arg8[%swap3A_103, %swap3A_104] {strides = array<i32>} : memref<100x128xf32, #tpu.memory_space<vmem>>, vector<1x16xf32>,
      %swap3A_106 = vector.shape_cast %swap3A_105 : vector<1x16xf32> to vector<16xf32>
      %swap3A_107 = vector.shape_cast %broadcast_in_dim3A_1 : vector<16xf32> to vector<1x16xf32>
      tpu.vector_store %arg8[%swap3A_103, %swap3A_104], %swap3A_107 {strides = array<i32>} : memref<100x128xf32, #tpu.memory_space<vmem>>, vector<1x16xf32>,
      %swap3A_108 = arith.index_cast %add3A_88 : i32 to index
      %swap3A_109 = arith.constant 64 : index
      %swap3A_110 = tpu.vector_load %arg8[%swap3A_108, %swap3A_109] {strides = array<i32>} : memref<100x128xf32, #tpu.memory_space<vmem>>, vector<1x16xf32>,
      %swap3A_111 = vector.shape_cast %swap3A_110 : vector<1x16xf32> to vector<16xf32>
      %swap3A_112 = vector.shape_cast %broadcast_in_dim3A_1 : vector<16xf32> to vector<1x16xf32>
      tpu.vector_store %arg8[%swap3A_108, %swap3A_109], %swap3A_112 {strides = array<i32>} : memref<100x128xf32, #tpu.memory_space<vmem>>, vector<1x16xf32>,
      %swap3A_113 = arith.index_cast %add3A_88 : i32 to index
      %swap3A_114 = arith.constant 80 : index
      %swap3A_115 = tpu.vector_load %arg8[%swap3A_113, %swap3A_114] {strides = array<i32>} : memref<100x128xf32, #tpu.memory_space<vmem>>, vector<1x16xf32>,
      %swap3A_116 = vector.shape_cast %swap3A_115 : vector<1x16xf32> to vector<16xf32>
      %swap3A_117 = vector.shape_cast %broadcast_in_dim3A_1 : vector<16xf32> to vector<1x16xf32>
      tpu.vector_store %arg8[%swap3A_113, %swap3A_114], %swap3A_117 {strides = array<i32>} : memref<100x128xf32, #tpu.memory_space<vmem>>, vector<1x16xf32>,
      %swap3A_118 = arith.index_cast %add3A_88 : i32 to index
      %swap3A_119 = arith.constant 96 : index
      %swap3A_120 = tpu.vector_load %arg8[%swap3A_118, %swap3A_119] {strides = array<i32>} : memref<100x128xf32, #tpu.memory_space<vmem>>, vector<1x16xf32>,
      %swap3A_121 = vector.shape_cast %swap3A_120 : vector<1x16xf32> to vector<16xf32>
      %swap3A_122 = vector.shape_cast %broadcast_in_dim3A_1 : vector<16xf32> to vector<1x16xf32>
      tpu.vector_store %arg8[%swap3A_118, %swap3A_119], %swap3A_122 {strides = array<i32>} : memref<100x128xf32, #tpu.memory_space<vmem>>, vector<1x16xf32>,
      %swap3A_123 = arith.index_cast %add3A_88 : i32 to index
      %swap3A_124 = arith.constant 112 : index
      %swap3A_125 = tpu.vector_load %arg8[%swap3A_123, %swap3A_124] {strides = array<i32>} : memref<100x128xf32, #tpu.memory_space<vmem>>, vector<1x16xf32>,
      %swap3A_126 = vector.shape_cast %swap3A_125 : vector<1x16xf32> to vector<16xf32>
      %swap3A_127 = vector.shape_cast %broadcast_in_dim3A_1 : vector<16xf32> to vector<1x16xf32>
      tpu.vector_store %arg8[%swap3A_123, %swap3A_124], %swap3A_127 {strides = array<i32>} : memref<100x128xf32, #tpu.memory_space<vmem>>, vector<1x16xf32>,
    }
    %scan3A_5 = arith.constant 100 : i32
    %mul3A_6 = arith.constant 625 : i32
    %mul3A_7 = arith.muli %arg1, %mul3A_6 : i32
    %add3A_8 = arith.constant 0 : i32
    %add3A_9 = arith.addi %mul3A_7, %add3A_8 : i32
    "tpu.region"() ({
      %run_scoped3A = tpu.sem_alloc : memref<!tpu.dma_semaphore, #tpu.memory_space<semaphore_mem>>
      %dma_start3A_84 = arith.constant 0 : i32
      %dma_start3A_85 = arith.constant 0 : i32
      %dma_start3A_86 = tpu.memref_slice %arg8[%dma_start3A_84, %dma_start3A_85] : memref<100x128xf32, #tpu.memory_space<vmem>> -> memref<100x128xf32, #tpu.memory_space<vmem>>
      %dma_start3A_87 = arith.constant 0 : i32
      %dma_start3A_88 = tpu.memref_slice %arg10[%add3A_9, %dma_start3A_87] : memref<10008x128xf32, #tpu.memory_space<vmem_shared>> -> memref<100x128xf32, #tpu.memory_space<vmem_shared>>
      %dma_start3A_89 = arith.constant 0 : i32
      %dma_start3A_90 = tpu.memref_slice %arg10[%add3A_9, %dma_start3A_89] : memref<10008x128xf32, #tpu.memory_space<vmem_shared>> -> memref<100x128xf32, #tpu.memory_space<vmem_shared>>
      %dma_start3A_91 = arith.constant 0 : i32
      %dma_start3A_92 = arith.constant 0 : i32
      %dma_start3A_93 = tpu.memref_slice %arg8[%dma_start3A_91, %dma_start3A_92] : memref<100x128xf32, #tpu.memory_space<vmem>> -> memref<100x128xf32, #tpu.memory_space<vmem>>
      tpu.enqueue_dma source(%dma_start3A_93 : memref<100x128xf32, #tpu.memory_space<vmem>>) target(%dma_start3A_90 : memref<100x128xf32, #tpu.memory_space<vmem_shared>>) target_semaphore(%run_scoped3A : memref<!tpu.dma_semaphore, #tpu.memory_space<semaphore_mem>>)
      %dma_wait3A_94 = arith.constant 0 : i32
      %dma_wait3A_95 = arith.constant 0 : i32
      %dma_wait3A_96 = tpu.memref_slice %arg8[%dma_wait3A_94, %dma_wait3A_95] : memref<100x128xf32, #tpu.memory_space<vmem>> -> memref<100x128xf32, #tpu.memory_space<vmem>>
      %dma_wait3A_97 = arith.constant 0 : i32
      %dma_wait3A_98 = tpu.memref_slice %arg10[%add3A_9, %dma_wait3A_97] : memref<10008x128xf32, #tpu.memory_space<vmem_shared>> -> memref<100x128xf32, #tpu.memory_space<vmem_shared>>
      %dma_wait3A_99 = arith.constant 0 : i32
      %dma_wait3A_100 = tpu.memref_slice %arg10[%add3A_9, %dma_wait3A_99] : memref<10008x128xf32, #tpu.memory_space<vmem_shared>> -> memref<100x128xf32, #tpu.memory_space<vmem_shared>>
      %dma_wait3A_101 = arith.constant 0 : i32
      %dma_wait3A_102 = arith.constant 0 : i32
      %dma_wait3A_103 = tpu.memref_slice %arg8[%dma_wait3A_101, %dma_wait3A_102] : memref<100x128xf32, #tpu.memory_space<vmem>> -> memref<100x128xf32, #tpu.memory_space<vmem>>
      tpu.wait_dma2 semaphore(%run_scoped3A : memref<!tpu.dma_semaphore, #tpu.memory_space<semaphore_mem>>) src(%dma_wait3A_103 : memref<100x128xf32, #tpu.memory_space<vmem>>) dst(%dma_wait3A_100 : memref<100x128xf32, #tpu.memory_space<vmem_shared>>)
      tpu.yield
    }) : () -> ()
    %add3A_10 = arith.constant 100 : i32
    %add3A_11 = arith.addi %mul3A_7, %add3A_10 : i32
    "tpu.region"() ({
      %run_scoped3A = tpu.sem_alloc : memref<!tpu.dma_semaphore, #tpu.memory_space<semaphore_mem>>
      %dma_start3A_84 = arith.constant 0 : i32
      %dma_start3A_85 = arith.constant 0 : i32
      %dma_start3A_86 = tpu.memref_slice %arg8[%dma_start3A_84, %dma_start3A_85] : memref<100x128xf32, #tpu.memory_space<vmem>> -> memref<100x128xf32, #tpu.memory_space<vmem>>
      %dma_start3A_87 = arith.constant 0 : i32
      %dma_start3A_88 = tpu.memref_slice %arg10[%add3A_11, %dma_start3A_87] : memref<10008x128xf32, #tpu.memory_space<vmem_shared>> -> memref<100x128xf32, #tpu.memory_space<vmem_shared>>
      %dma_start3A_89 = arith.constant 0 : i32
      %dma_start3A_90 = tpu.memref_slice %arg10[%add3A_11, %dma_start3A_89] : memref<10008x128xf32, #tpu.memory_space<vmem_shared>> -> memref<100x128xf32, #tpu.memory_space<vmem_shared>>
      %dma_start3A_91 = arith.constant 0 : i32
      %dma_start3A_92 = arith.constant 0 : i32
      %dma_start3A_93 = tpu.memref_slice %arg8[%dma_start3A_91, %dma_start3A_92] : memref<100x128xf32, #tpu.memory_space<vmem>> -> memref<100x128xf32, #tpu.memory_space<vmem>>
      tpu.enqueue_dma source(%dma_start3A_93 : memref<100x128xf32, #tpu.memory_space<vmem>>) target(%dma_start3A_90 : memref<100x128xf32, #tpu.memory_space<vmem_shared>>) target_semaphore(%run_scoped3A : memref<!tpu.dma_semaphore, #tpu.memory_space<semaphore_mem>>)
      %dma_wait3A_94 = arith.constant 0 : i32
      %dma_wait3A_95 = arith.constant 0 : i32
      %dma_wait3A_96 = tpu.memref_slice %arg8[%dma_wait3A_94, %dma_wait3A_95] : memref<100x128xf32, #tpu.memory_space<vmem>> -> memref<100x128xf32, #tpu.memory_space<vmem>>
      %dma_wait3A_97 = arith.constant 0 : i32
      %dma_wait3A_98 = tpu.memref_slice %arg10[%add3A_11, %dma_wait3A_97] : memref<10008x128xf32, #tpu.memory_space<vmem_shared>> -> memref<100x128xf32, #tpu.memory_space<vmem_shared>>
      %dma_wait3A_99 = arith.constant 0 : i32
      %dma_wait3A_100 = tpu.memref_slice %arg10[%add3A_11, %dma_wait3A_99] : memref<10008x128xf32, #tpu.memory_space<vmem_shared>> -> memref<100x128xf32, #tpu.memory_space<vmem_shared>>
      %dma_wait3A_101 = arith.constant 0 : i32
      %dma_wait3A_102 = arith.constant 0 : i32
      %dma_wait3A_103 = tpu.memref_slice %arg8[%dma_wait3A_101, %dma_wait3A_102] : memref<100x128xf32, #tpu.memory_space<vmem>> -> memref<100x128xf32, #tpu.memory_space<vmem>>
      tpu.wait_dma2 semaphore(%run_scoped3A : memref<!tpu.dma_semaphore, #tpu.memory_space<semaphore_mem>>) src(%dma_wait3A_103 : memref<100x128xf32, #tpu.memory_space<vmem>>) dst(%dma_wait3A_100 : memref<100x128xf32, #tpu.memory_space<vmem_shared>>)
      tpu.yield
    }) : () -> ()
    %add3A_12 = arith.constant 200 : i32
    %add3A_13 = arith.addi %mul3A_7, %add3A_12 : i32
    "tpu.region"() ({
      %run_scoped3A = tpu.sem_alloc : memref<!tpu.dma_semaphore, #tpu.memory_space<semaphore_mem>>
      %dma_start3A_84 = arith.constant 0 : i32
      %dma_start3A_85 = arith.constant 0 : i32
      %dma_start3A_86 = tpu.memref_slice %arg8[%dma_start3A_84, %dma_start3A_85] : memref<100x128xf32, #tpu.memory_space<vmem>> -> memref<100x128xf32, #tpu.memory_space<vmem>>
      %dma_start3A_87 = arith.constant 0 : i32
      %dma_start3A_88 = tpu.memref_slice %arg10[%add3A_13, %dma_start3A_87] : memref<10008x128xf32, #tpu.memory_space<vmem_shared>> -> memref<100x128xf32, #tpu.memory_space<vmem_shared>>
      %dma_start3A_89 = arith.constant 0 : i32
      %dma_start3A_90 = tpu.memref_slice %arg10[%add3A_13, %dma_start3A_89] : memref<10008x128xf32, #tpu.memory_space<vmem_shared>> -> memref<100x128xf32, #tpu.memory_space<vmem_shared>>
      %dma_start3A_91 = arith.constant 0 : i32
      %dma_start3A_92 = arith.constant 0 : i32
      %dma_start3A_93 = tpu.memref_slice %arg8[%dma_start3A_91, %dma_start3A_92] : memref<100x128xf32, #tpu.memory_space<vmem>> -> memref<100x128xf32, #tpu.memory_space<vmem>>
      tpu.enqueue_dma source(%dma_start3A_93 : memref<100x128xf32, #tpu.memory_space<vmem>>) target(%dma_start3A_90 : memref<100x128xf32, #tpu.memory_space<vmem_shared>>) target_semaphore(%run_scoped3A : memref<!tpu.dma_semaphore, #tpu.memory_space<semaphore_mem>>)
      %dma_wait3A_94 = arith.constant 0 : i32
      %dma_wait3A_95 = arith.constant 0 : i32
      %dma_wait3A_96 = tpu.memref_slice %arg8[%dma_wait3A_94, %dma_wait3A_95] : memref<100x128xf32, #tpu.memory_space<vmem>> -> memref<100x128xf32, #tpu.memory_space<vmem>>
      %dma_wait3A_97 = arith.constant 0 : i32
      %dma_wait3A_98 = tpu.memref_slice %arg10[%add3A_13, %dma_wait3A_97] : memref<10008x128xf32, #tpu.memory_space<vmem_shared>> -> memref<100x128xf32, #tpu.memory_space<vmem_shared>>
      %dma_wait3A_99 = arith.constant 0 : i32
      %dma_wait3A_100 = tpu.memref_slice %arg10[%add3A_13, %dma_wait3A_99] : memref<10008x128xf32, #tpu.memory_space<vmem_shared>> -> memref<100x128xf32, #tpu.memory_space<vmem_shared>>
      %dma_wait3A_101 = arith.constant 0 : i32
      %dma_wait3A_102 = arith.constant 0 : i32
      %dma_wait3A_103 = tpu.memref_slice %arg8[%dma_wait3A_101, %dma_wait3A_102] : memref<100x128xf32, #tpu.memory_space<vmem>> -> memref<100x128xf32, #tpu.memory_space<vmem>>
      tpu.wait_dma2 semaphore(%run_scoped3A : memref<!tpu.dma_semaphore, #tpu.memory_space<semaphore_mem>>) src(%dma_wait3A_103 : memref<100x128xf32, #tpu.memory_space<vmem>>) dst(%dma_wait3A_100 : memref<100x128xf32, #tpu.memory_space<vmem_shared>>)
      tpu.yield
    }) : () -> ()
    %add3A_14 = arith.constant 300 : i32
    %add3A_15 = arith.addi %mul3A_7, %add3A_14 : i32
    "tpu.region"() ({
      %run_scoped3A = tpu.sem_alloc : memref<!tpu.dma_semaphore, #tpu.memory_space<semaphore_mem>>
      %dma_start3A_84 = arith.constant 0 : i32
      %dma_start3A_85 = arith.constant 0 : i32
      %dma_start3A_86 = tpu.memref_slice %arg8[%dma_start3A_84, %dma_start3A_85] : memref<100x128xf32, #tpu.memory_space<vmem>> -> memref<100x128xf32, #tpu.memory_space<vmem>>
      %dma_start3A_87 = arith.constant 0 : i32
      %dma_start3A_88 = tpu.memref_slice %arg10[%add3A_15, %dma_start3A_87] : memref<10008x128xf32, #tpu.memory_space<vmem_shared>> -> memref<100x128xf32, #tpu.memory_space<vmem_shared>>
      %dma_start3A_89 = arith.constant 0 : i32
      %dma_start3A_90 = tpu.memref_slice %arg10[%add3A_15, %dma_start3A_89] : memref<10008x128xf32, #tpu.memory_space<vmem_shared>> -> memref<100x128xf32, #tpu.memory_space<vmem_shared>>
      %dma_start3A_91 = arith.constant 0 : i32
      %dma_start3A_92 = arith.constant 0 : i32
      %dma_start3A_93 = tpu.memref_slice %arg8[%dma_start3A_91, %dma_start3A_92] : memref<100x128xf32, #tpu.memory_space<vmem>> -> memref<100x128xf32, #tpu.memory_space<vmem>>
      tpu.enqueue_dma source(%dma_start3A_93 : memref<100x128xf32, #tpu.memory_space<vmem>>) target(%dma_start3A_90 : memref<100x128xf32, #tpu.memory_space<vmem_shared>>) target_semaphore(%run_scoped3A : memref<!tpu.dma_semaphore, #tpu.memory_space<semaphore_mem>>)
      %dma_wait3A_94 = arith.constant 0 : i32
      %dma_wait3A_95 = arith.constant 0 : i32
      %dma_wait3A_96 = tpu.memref_slice %arg8[%dma_wait3A_94, %dma_wait3A_95] : memref<100x128xf32, #tpu.memory_space<vmem>> -> memref<100x128xf32, #tpu.memory_space<vmem>>
      %dma_wait3A_97 = arith.constant 0 : i32
      %dma_wait3A_98 = tpu.memref_slice %arg10[%add3A_15, %dma_wait3A_97] : memref<10008x128xf32, #tpu.memory_space<vmem_shared>> -> memref<100x128xf32, #tpu.memory_space<vmem_shared>>
      %dma_wait3A_99 = arith.constant 0 : i32
      %dma_wait3A_100 = tpu.memref_slice %arg10[%add3A_15, %dma_wait3A_99] : memref<10008x128xf32, #tpu.memory_space<vmem_shared>> -> memref<100x128xf32, #tpu.memory_space<vmem_shared>>
      %dma_wait3A_101 = arith.constant 0 : i32
      %dma_wait3A_102 = arith.constant 0 : i32
      %dma_wait3A_103 = tpu.memref_slice %arg8[%dma_wait3A_101, %dma_wait3A_102] : memref<100x128xf32, #tpu.memory_space<vmem>> -> memref<100x128xf32, #tpu.memory_space<vmem>>
      tpu.wait_dma2 semaphore(%run_scoped3A : memref<!tpu.dma_semaphore, #tpu.memory_space<semaphore_mem>>) src(%dma_wait3A_103 : memref<100x128xf32, #tpu.memory_space<vmem>>) dst(%dma_wait3A_100 : memref<100x128xf32, #tpu.memory_space<vmem_shared>>)
      tpu.yield
    }) : () -> ()
    %add3A_16 = arith.constant 400 : i32
    %add3A_17 = arith.addi %mul3A_7, %add3A_16 : i32
    "tpu.region"() ({
      %run_scoped3A = tpu.sem_alloc : memref<!tpu.dma_semaphore, #tpu.memory_space<semaphore_mem>>
      %dma_start3A_84 = arith.constant 0 : i32
      %dma_start3A_85 = arith.constant 0 : i32
      %dma_start3A_86 = tpu.memref_slice %arg8[%dma_start3A_84, %dma_start3A_85] : memref<100x128xf32, #tpu.memory_space<vmem>> -> memref<100x128xf32, #tpu.memory_space<vmem>>
      %dma_start3A_87 = arith.constant 0 : i32
      %dma_start3A_88 = tpu.memref_slice %arg10[%add3A_17, %dma_start3A_87] : memref<10008x128xf32, #tpu.memory_space<vmem_shared>> -> memref<100x128xf32, #tpu.memory_space<vmem_shared>>
      %dma_start3A_89 = arith.constant 0 : i32
      %dma_start3A_90 = tpu.memref_slice %arg10[%add3A_17, %dma_start3A_89] : memref<10008x128xf32, #tpu.memory_space<vmem_shared>> -> memref<100x128xf32, #tpu.memory_space<vmem_shared>>
      %dma_start3A_91 = arith.constant 0 : i32
      %dma_start3A_92 = arith.constant 0 : i32
      %dma_start3A_93 = tpu.memref_slice %arg8[%dma_start3A_91, %dma_start3A_92] : memref<100x128xf32, #tpu.memory_space<vmem>> -> memref<100x128xf32, #tpu.memory_space<vmem>>
      tpu.enqueue_dma source(%dma_start3A_93 : memref<100x128xf32, #tpu.memory_space<vmem>>) target(%dma_start3A_90 : memref<100x128xf32, #tpu.memory_space<vmem_shared>>) target_semaphore(%run_scoped3A : memref<!tpu.dma_semaphore, #tpu.memory_space<semaphore_mem>>)
      %dma_wait3A_94 = arith.constant 0 : i32
      %dma_wait3A_95 = arith.constant 0 : i32
      %dma_wait3A_96 = tpu.memref_slice %arg8[%dma_wait3A_94, %dma_wait3A_95] : memref<100x128xf32, #tpu.memory_space<vmem>> -> memref<100x128xf32, #tpu.memory_space<vmem>>
      %dma_wait3A_97 = arith.constant 0 : i32
      %dma_wait3A_98 = tpu.memref_slice %arg10[%add3A_17, %dma_wait3A_97] : memref<10008x128xf32, #tpu.memory_space<vmem_shared>> -> memref<100x128xf32, #tpu.memory_space<vmem_shared>>
      %dma_wait3A_99 = arith.constant 0 : i32
      %dma_wait3A_100 = tpu.memref_slice %arg10[%add3A_17, %dma_wait3A_99] : memref<10008x128xf32, #tpu.memory_space<vmem_shared>> -> memref<100x128xf32, #tpu.memory_space<vmem_shared>>
      %dma_wait3A_101 = arith.constant 0 : i32
      %dma_wait3A_102 = arith.constant 0 : i32
      %dma_wait3A_103 = tpu.memref_slice %arg8[%dma_wait3A_101, %dma_wait3A_102] : memref<100x128xf32, #tpu.memory_space<vmem>> -> memref<100x128xf32, #tpu.memory_space<vmem>>
      tpu.wait_dma2 semaphore(%run_scoped3A : memref<!tpu.dma_semaphore, #tpu.memory_space<semaphore_mem>>) src(%dma_wait3A_103 : memref<100x128xf32, #tpu.memory_space<vmem>>) dst(%dma_wait3A_100 : memref<100x128xf32, #tpu.memory_space<vmem_shared>>)
      tpu.yield
    }) : () -> ()
    %add3A_18 = arith.constant 500 : i32
    %add3A_19 = arith.addi %mul3A_7, %add3A_18 : i32
    "tpu.region"() ({
      %run_scoped3A = tpu.sem_alloc : memref<!tpu.dma_semaphore, #tpu.memory_space<semaphore_mem>>
      %dma_start3A_84 = arith.constant 0 : i32
      %dma_start3A_85 = arith.constant 0 : i32
      %dma_start3A_86 = tpu.memref_slice %arg8[%dma_start3A_84, %dma_start3A_85] : memref<100x128xf32, #tpu.memory_space<vmem>> -> memref<100x128xf32, #tpu.memory_space<vmem>>
      %dma_start3A_87 = arith.constant 0 : i32
      %dma_start3A_88 = tpu.memref_slice %arg10[%add3A_19, %dma_start3A_87] : memref<10008x128xf32, #tpu.memory_space<vmem_shared>> -> memref<100x128xf32, #tpu.memory_space<vmem_shared>>
      %dma_start3A_89 = arith.constant 0 : i32
      %dma_start3A_90 = tpu.memref_slice %arg10[%add3A_19, %dma_start3A_89] : memref<10008x128xf32, #tpu.memory_space<vmem_shared>> -> memref<100x128xf32, #tpu.memory_space<vmem_shared>>
      %dma_start3A_91 = arith.constant 0 : i32
      %dma_start3A_92 = arith.constant 0 : i32
      %dma_start3A_93 = tpu.memref_slice %arg8[%dma_start3A_91, %dma_start3A_92] : memref<100x128xf32, #tpu.memory_space<vmem>> -> memref<100x128xf32, #tpu.memory_space<vmem>>
      tpu.enqueue_dma source(%dma_start3A_93 : memref<100x128xf32, #tpu.memory_space<vmem>>) target(%dma_start3A_90 : memref<100x128xf32, #tpu.memory_space<vmem_shared>>) target_semaphore(%run_scoped3A : memref<!tpu.dma_semaphore, #tpu.memory_space<semaphore_mem>>)
      %dma_wait3A_94 = arith.constant 0 : i32
      %dma_wait3A_95 = arith.constant 0 : i32
      %dma_wait3A_96 = tpu.memref_slice %arg8[%dma_wait3A_94, %dma_wait3A_95] : memref<100x128xf32, #tpu.memory_space<vmem>> -> memref<100x128xf32, #tpu.memory_space<vmem>>
      %dma_wait3A_97 = arith.constant 0 : i32
      %dma_wait3A_98 = tpu.memref_slice %arg10[%add3A_19, %dma_wait3A_97] : memref<10008x128xf32, #tpu.memory_space<vmem_shared>> -> memref<100x128xf32, #tpu.memory_space<vmem_shared>>
      %dma_wait3A_99 = arith.constant 0 : i32
      %dma_wait3A_100 = tpu.memref_slice %arg10[%add3A_19, %dma_wait3A_99] : memref<10008x128xf32, #tpu.memory_space<vmem_shared>> -> memref<100x128xf32, #tpu.memory_space<vmem_shared>>
      %dma_wait3A_101 = arith.constant 0 : i32
      %dma_wait3A_102 = arith.constant 0 : i32
      %dma_wait3A_103 = tpu.memref_slice %arg8[%dma_wait3A_101, %dma_wait3A_102] : memref<100x128xf32, #tpu.memory_space<vmem>> -> memref<100x128xf32, #tpu.memory_space<vmem>>
      tpu.wait_dma2 semaphore(%run_scoped3A : memref<!tpu.dma_semaphore, #tpu.memory_space<semaphore_mem>>) src(%dma_wait3A_103 : memref<100x128xf32, #tpu.memory_space<vmem>>) dst(%dma_wait3A_100 : memref<100x128xf32, #tpu.memory_space<vmem_shared>>)
      tpu.yield
    }) : () -> ()
    %add3A_20 = arith.constant 600 : i32
    %add3A_21 = arith.addi %mul3A_7, %add3A_20 : i32
    "tpu.region"() ({
      %run_scoped3A = tpu.sem_alloc : memref<!tpu.dma_semaphore, #tpu.memory_space<semaphore_mem>>
      %dma_start3A_84 = arith.constant 0 : i32
      %dma_start3A_85 = arith.constant 0 : i32
      %dma_start3A_86 = tpu.memref_slice %arg8[%dma_start3A_84, %dma_start3A_85] : memref<100x128xf32, #tpu.memory_space<vmem>> -> memref<25x128xf32, #tpu.memory_space<vmem>>
      %dma_start3A_87 = arith.constant 0 : i32
      %dma_start3A_88 = tpu.memref_slice %arg10[%add3A_21, %dma_start3A_87] : memref<10008x128xf32, #tpu.memory_space<vmem_shared>> -> memref<25x128xf32, #tpu.memory_space<vmem_shared>>
      %dma_start3A_89 = arith.constant 0 : i32
      %dma_start3A_90 = tpu.memref_slice %arg10[%add3A_21, %dma_start3A_89] : memref<10008x128xf32, #tpu.memory_space<vmem_shared>> -> memref<25x128xf32, #tpu.memory_space<vmem_shared>>
      %dma_start3A_91 = arith.constant 0 : i32
      %dma_start3A_92 = arith.constant 0 : i32
      %dma_start3A_93 = tpu.memref_slice %arg8[%dma_start3A_91, %dma_start3A_92] : memref<100x128xf32, #tpu.memory_space<vmem>> -> memref<25x128xf32, #tpu.memory_space<vmem>>
      tpu.enqueue_dma source(%dma_start3A_93 : memref<25x128xf32, #tpu.memory_space<vmem>>) target(%dma_start3A_90 : memref<25x128xf32, #tpu.memory_space<vmem_shared>>) target_semaphore(%run_scoped3A : memref<!tpu.dma_semaphore, #tpu.memory_space<semaphore_mem>>)
      %dma_wait3A_94 = arith.constant 0 : i32
      %dma_wait3A_95 = arith.constant 0 : i32
      %dma_wait3A_96 = tpu.memref_slice %arg8[%dma_wait3A_94, %dma_wait3A_95] : memref<100x128xf32, #tpu.memory_space<vmem>> -> memref<25x128xf32, #tpu.memory_space<vmem>>
      %dma_wait3A_97 = arith.constant 0 : i32
      %dma_wait3A_98 = tpu.memref_slice %arg10[%add3A_21, %dma_wait3A_97] : memref<10008x128xf32, #tpu.memory_space<vmem_shared>> -> memref<25x128xf32, #tpu.memory_space<vmem_shared>>
      %dma_wait3A_99 = arith.constant 0 : i32
      %dma_wait3A_100 = tpu.memref_slice %arg10[%add3A_21, %dma_wait3A_99] : memref<10008x128xf32, #tpu.memory_space<vmem_shared>> -> memref<25x128xf32, #tpu.memory_space<vmem_shared>>
      %dma_wait3A_101 = arith.constant 0 : i32
      %dma_wait3A_102 = arith.constant 0 : i32
      %dma_wait3A_103 = tpu.memref_slice %arg8[%dma_wait3A_101, %dma_wait3A_102] : memref<100x128xf32, #tpu.memory_space<vmem>> -> memref<25x128xf32, #tpu.memory_space<vmem>>
      tpu.wait_dma2 semaphore(%run_scoped3A : memref<!tpu.dma_semaphore, #tpu.memory_space<semaphore_mem>>) src(%dma_wait3A_103 : memref<25x128xf32, #tpu.memory_space<vmem>>) dst(%dma_wait3A_100 : memref<25x128xf32, #tpu.memory_space<vmem_shared>>)
      tpu.yield
    }) : () -> ()
    %barrier3A = arith.constant 0 : index
    tpu.barrier barrier_id(%barrier3A)
    %dma_start3A = arith.constant 0 : i32
    %dma_start3A_22 = arith.constant 0 : i32
    %dma_start3A_23 = tpu.memref_slice %arg6[%dma_start3A, %dma_start3A_22] : memref<100x100xi32, #tpu.memory_space<vmem>> -> memref<1x100xi32, #tpu.memory_space<vmem>>
    %dma_start3A_24 = tpu.memref_squeeze %dma_start3A_23 : memref<1x100xi32, #tpu.memory_space<vmem>> -> memref<100xi32, #tpu.memory_space<vmem>>
    %dma_start3A_25 = arith.constant 0 : i32
    %dma_start3A_26 = arith.constant 0 : i32
    %dma_start3A_27 = tpu.memref_slice %arg2[%dma_start3A_25, %dma_start3A_26] : memref<10000x128xf32, #tpu.memory_space<hbm>> -> memref<10000x128xf32, #tpu.memory_space<hbm>>
    tpu.enqueue_indirect_dma source(%dma_start3A_27 : memref<10000x128xf32, #tpu.memory_space<hbm>>) target(%arg8 : memref<100x128xf32, #tpu.memory_space<vmem>>) offsets(%dma_start3A_24 : memref<100xi32, #tpu.memory_space<vmem>>) semaphore(%arg11 : memref<!tpu.dma_semaphore, #tpu.memory_space<semaphore_mem>>)
    %dma_start3A_28 = arith.constant 1 : i32
    %dma_start3A_29 = arith.constant 0 : i32
    %dma_start3A_30 = tpu.memref_slice %arg6[%dma_start3A_28, %dma_start3A_29] : memref<100x100xi32, #tpu.memory_space<vmem>> -> memref<1x100xi32, #tpu.memory_space<vmem>>
    %dma_start3A_31 = tpu.memref_squeeze %dma_start3A_30 : memref<1x100xi32, #tpu.memory_space<vmem>> -> memref<100xi32, #tpu.memory_space<vmem>>
    %dma_start3A_32 = arith.constant 0 : i32
    %dma_start3A_33 = arith.constant 0 : i32
    %dma_start3A_34 = tpu.memref_slice %arg2[%dma_start3A_32, %dma_start3A_33] : memref<10000x128xf32, #tpu.memory_space<hbm>> -> memref<10000x128xf32, #tpu.memory_space<hbm>>
    tpu.enqueue_indirect_dma source(%dma_start3A_34 : memref<10000x128xf32, #tpu.memory_space<hbm>>) target(%arg9 : memref<100x128xf32, #tpu.memory_space<vmem>>) offsets(%dma_start3A_31 : memref<100xi32, #tpu.memory_space<vmem>>) semaphore(%arg12 : memref<!tpu.dma_semaphore, #tpu.memory_space<semaphore_mem>>)
    %dma_wait3A = arith.constant 0 : i32
    %dma_wait3A_35 = arith.constant 0 : i32
    %dma_wait3A_36 = tpu.memref_slice %arg6[%dma_wait3A, %dma_wait3A_35] : memref<100x100xi32, #tpu.memory_space<vmem>> -> memref<1x100xi32, #tpu.memory_space<vmem>>
    %dma_wait3A_37 = tpu.memref_squeeze %dma_wait3A_36 : memref<1x100xi32, #tpu.memory_space<vmem>> -> memref<100xi32, #tpu.memory_space<vmem>>
    %dma_wait3A_38 = arith.constant 0 : i32
    %dma_wait3A_39 = arith.constant 0 : i32
    %dma_wait3A_40 = tpu.memref_slice %arg2[%dma_wait3A_38, %dma_wait3A_39] : memref<10000x128xf32, #tpu.memory_space<hbm>> -> memref<10000x128xf32, #tpu.memory_space<hbm>>
    tpu.wait_indirect_dma semaphore(%arg11 : memref<!tpu.dma_semaphore, #tpu.memory_space<semaphore_mem>>) src(%dma_wait3A_40 : memref<10000x128xf32, #tpu.memory_space<hbm>>) dst(%arg8 : memref<100x128xf32, #tpu.memory_space<vmem>>)
    %dma_start3A_41 = arith.constant 0 : i32
    %dma_start3A_42 = arith.constant 0 : i32
    %dma_start3A_43 = tpu.memref_slice %arg7[%dma_start3A_41, %dma_start3A_42] : memref<100x100xi32, #tpu.memory_space<vmem>> -> memref<1x100xi32, #tpu.memory_space<vmem>>
    %dma_start3A_44 = tpu.memref_squeeze %dma_start3A_43 : memref<1x100xi32, #tpu.memory_space<vmem>> -> memref<100xi32, #tpu.memory_space<vmem>>
    %dma_start3A_45 = arith.constant 0 : i32
    %dma_start3A_46 = arith.constant 0 : i32
    %dma_start3A_47 = tpu.memref_slice %arg10[%dma_start3A_45, %dma_start3A_46] : memref<10008x128xf32, #tpu.memory_space<vmem_shared>> -> memref<10008x128xf32, #tpu.memory_space<vmem_shared>>
    tpu.enqueue_indirect_dma source(%arg8 : memref<100x128xf32, #tpu.memory_space<vmem>>) target(%dma_start3A_47 : memref<10008x128xf32, #tpu.memory_space<vmem_shared>>) offsets(%dma_start3A_44 : memref<100xi32, #tpu.memory_space<vmem>>) semaphore(%arg13 : memref<!tpu.dma_semaphore, #tpu.memory_space<semaphore_mem>>) {add = true}
    %dma_wait3A_48 = arith.constant 0 : i32
    %dma_wait3A_49 = arith.constant 0 : i32
    %dma_wait3A_50 = tpu.memref_slice %arg6[%dma_wait3A_48, %dma_wait3A_49] : memref<100x100xi32, #tpu.memory_space<vmem>> -> memref<1x100xi32, #tpu.memory_space<vmem>>
    %dma_wait3A_51 = tpu.memref_squeeze %dma_wait3A_50 : memref<1x100xi32, #tpu.memory_space<vmem>> -> memref<100xi32, #tpu.memory_space<vmem>>
    %dma_wait3A_52 = arith.constant 0 : i32
    %dma_wait3A_53 = arith.constant 0 : i32
    %dma_wait3A_54 = tpu.memref_slice %arg2[%dma_wait3A_52, %dma_wait3A_53] : memref<10000x128xf32, #tpu.memory_space<hbm>> -> memref<10000x128xf32, #tpu.memory_space<hbm>>
    tpu.wait_indirect_dma semaphore(%arg12 : memref<!tpu.dma_semaphore, #tpu.memory_space<semaphore_mem>>) src(%dma_wait3A_54 : memref<10000x128xf32, #tpu.memory_space<hbm>>) dst(%arg9 : memref<100x128xf32, #tpu.memory_space<vmem>>)
    %dma_start3A_55 = arith.constant 1 : i32
    %dma_start3A_56 = arith.constant 0 : i32
    %dma_start3A_57 = tpu.memref_slice %arg7[%dma_start3A_55, %dma_start3A_56] : memref<100x100xi32, #tpu.memory_space<vmem>> -> memref<1x100xi32, #tpu.memory_space<vmem>>
    %dma_start3A_58 = tpu.memref_squeeze %dma_start3A_57 : memref<1x100xi32, #tpu.memory_space<vmem>> -> memref<100xi32, #tpu.memory_space<vmem>>
    %dma_start3A_59 = arith.constant 0 : i32
    %dma_start3A_60 = arith.constant 0 : i32
    %dma_start3A_61 = tpu.memref_slice %arg10[%dma_start3A_59, %dma_start3A_60] : memref<10008x128xf32, #tpu.memory_space<vmem_shared>> -> memref<10008x128xf32, #tpu.memory_space<vmem_shared>>
    tpu.enqueue_indirect_dma source(%arg9 : memref<100x128xf32, #tpu.memory_space<vmem>>) target(%dma_start3A_61 : memref<10008x128xf32, #tpu.memory_space<vmem_shared>>) offsets(%dma_start3A_58 : memref<100xi32, #tpu.memory_space<vmem>>) semaphore(%arg14 : memref<!tpu.dma_semaphore, #tpu.memory_space<semaphore_mem>>) {add = true}
    %scan3A_62 = arith.constant 0 : i32
    %scan3A_63 = arith.constant 49 : i32
    %scan3A_64 = arith.addi %scan3A_62, %scan3A_63 : i32
    %scan3A_65 = arith.constant 1 : i32
    scf.for %scan3A_84 = %scan3A_62 to %scan3A_64 step %scan3A_65  : i32 {
      %mul3A_85 = arith.constant 1 : i32
      %mul3A_86 = arith.muli %scan3A_84, %mul3A_85 : i32
      %add3A_87 = arith.constant 1 : i32
      %add3A_88 = arith.addi %add3A_87, %mul3A_86 : i32
      %mul3A_89 = arith.constant 2 : i32
      %mul3A_90 = arith.muli %mul3A_89, %add3A_88 : i32
      %add3A_91 = arith.constant 0 : i32
      %add3A_92 = arith.addi %mul3A_90, %add3A_91 : i32
      %dma_wait3A_93 = arith.constant 0 : i32
      %dma_wait3A_94 = arith.constant 0 : i32
      %dma_wait3A_95 = tpu.memref_slice %arg7[%dma_wait3A_93, %dma_wait3A_94] : memref<100x100xi32, #tpu.memory_space<vmem>> -> memref<1x100xi32, #tpu.memory_space<vmem>>
      %dma_wait3A_96 = tpu.memref_squeeze %dma_wait3A_95 : memref<1x100xi32, #tpu.memory_space<vmem>> -> memref<100xi32, #tpu.memory_space<vmem>>
      %dma_wait3A_97 = arith.constant 0 : i32
      %dma_wait3A_98 = arith.constant 0 : i32
      %dma_wait3A_99 = tpu.memref_slice %arg10[%dma_wait3A_97, %dma_wait3A_98] : memref<10008x128xf32, #tpu.memory_space<vmem_shared>> -> memref<10008x128xf32, #tpu.memory_space<vmem_shared>>
      tpu.wait_indirect_dma semaphore(%arg13 : memref<!tpu.dma_semaphore, #tpu.memory_space<semaphore_mem>>) src(%arg8 : memref<100x128xf32, #tpu.memory_space<vmem>>) dst(%dma_wait3A_99 : memref<10008x128xf32, #tpu.memory_space<vmem_shared>>)
      %dma_start3A_100 = arith.constant 0 : i32
      %dma_start3A_101 = tpu.memref_slice %arg6[%add3A_92, %dma_start3A_100] : memref<100x100xi32, #tpu.memory_space<vmem>> -> memref<1x100xi32, #tpu.memory_space<vmem>>
      %dma_start3A_102 = tpu.memref_squeeze %dma_start3A_101 : memref<1x100xi32, #tpu.memory_space<vmem>> -> memref<100xi32, #tpu.memory_space<vmem>>
      %dma_start3A_103 = arith.constant 0 : i32
      %dma_start3A_104 = arith.constant 0 : i32
      %dma_start3A_105 = tpu.memref_slice %arg2[%dma_start3A_103, %dma_start3A_104] : memref<10000x128xf32, #tpu.memory_space<hbm>> -> memref<10000x128xf32, #tpu.memory_space<hbm>>
      tpu.enqueue_indirect_dma source(%dma_start3A_105 : memref<10000x128xf32, #tpu.memory_space<hbm>>) target(%arg8 : memref<100x128xf32, #tpu.memory_space<vmem>>) offsets(%dma_start3A_102 : memref<100xi32, #tpu.memory_space<vmem>>) semaphore(%arg11 : memref<!tpu.dma_semaphore, #tpu.memory_space<semaphore_mem>>)
      %mul3A_106 = arith.constant 2 : i32
      %mul3A_107 = arith.muli %mul3A_106, %add3A_88 : i32
      %add3A_108 = arith.constant 1 : i32
      %add3A_109 = arith.addi %mul3A_107, %add3A_108 : i32
      %dma_wait3A_110 = arith.constant 0 : i32
      %dma_wait3A_111 = arith.constant 0 : i32
      %dma_wait3A_112 = tpu.memref_slice %arg7[%dma_wait3A_110, %dma_wait3A_111] : memref<100x100xi32, #tpu.memory_space<vmem>> -> memref<1x100xi32, #tpu.memory_space<vmem>>
      %dma_wait3A_113 = tpu.memref_squeeze %dma_wait3A_112 : memref<1x100xi32, #tpu.memory_space<vmem>> -> memref<100xi32, #tpu.memory_space<vmem>>
      %dma_wait3A_114 = arith.constant 0 : i32
      %dma_wait3A_115 = arith.constant 0 : i32
      %dma_wait3A_116 = tpu.memref_slice %arg10[%dma_wait3A_114, %dma_wait3A_115] : memref<10008x128xf32, #tpu.memory_space<vmem_shared>> -> memref<10008x128xf32, #tpu.memory_space<vmem_shared>>
      tpu.wait_indirect_dma semaphore(%arg14 : memref<!tpu.dma_semaphore, #tpu.memory_space<semaphore_mem>>) src(%arg9 : memref<100x128xf32, #tpu.memory_space<vmem>>) dst(%dma_wait3A_116 : memref<10008x128xf32, #tpu.memory_space<vmem_shared>>)
      %dma_start3A_117 = arith.constant 0 : i32
      %dma_start3A_118 = tpu.memref_slice %arg6[%add3A_109, %dma_start3A_117] : memref<100x100xi32, #tpu.memory_space<vmem>> -> memref<1x100xi32, #tpu.memory_space<vmem>>
      %dma_start3A_119 = tpu.memref_squeeze %dma_start3A_118 : memref<1x100xi32, #tpu.memory_space<vmem>> -> memref<100xi32, #tpu.memory_space<vmem>>
      %dma_start3A_120 = arith.constant 0 : i32
      %dma_start3A_121 = arith.constant 0 : i32
      %dma_start3A_122 = tpu.memref_slice %arg2[%dma_start3A_120, %dma_start3A_121] : memref<10000x128xf32, #tpu.memory_space<hbm>> -> memref<10000x128xf32, #tpu.memory_space<hbm>>
      tpu.enqueue_indirect_dma source(%dma_start3A_122 : memref<10000x128xf32, #tpu.memory_space<hbm>>) target(%arg9 : memref<100x128xf32, #tpu.memory_space<vmem>>) offsets(%dma_start3A_119 : memref<100xi32, #tpu.memory_space<vmem>>) semaphore(%arg12 : memref<!tpu.dma_semaphore, #tpu.memory_space<semaphore_mem>>)
      %dma_wait3A_123 = arith.constant 0 : i32
      %dma_wait3A_124 = arith.constant 0 : i32
      %dma_wait3A_125 = tpu.memref_slice %arg6[%dma_wait3A_123, %dma_wait3A_124] : memref<100x100xi32, #tpu.memory_space<vmem>> -> memref<1x100xi32, #tpu.memory_space<vmem>>
      %dma_wait3A_126 = tpu.memref_squeeze %dma_wait3A_125 : memref<1x100xi32, #tpu.memory_space<vmem>> -> memref<100xi32, #tpu.memory_space<vmem>>
      %dma_wait3A_127 = arith.constant 0 : i32
      %dma_wait3A_128 = arith.constant 0 : i32
      %dma_wait3A_129 = tpu.memref_slice %arg2[%dma_wait3A_127, %dma_wait3A_128] : memref<10000x128xf32, #tpu.memory_space<hbm>> -> memref<10000x128xf32, #tpu.memory_space<hbm>>
      tpu.wait_indirect_dma semaphore(%arg11 : memref<!tpu.dma_semaphore, #tpu.memory_space<semaphore_mem>>) src(%dma_wait3A_129 : memref<10000x128xf32, #tpu.memory_space<hbm>>) dst(%arg8 : memref<100x128xf32, #tpu.memory_space<vmem>>)
      %mul3A_130 = arith.constant 2 : i32
      %mul3A_131 = arith.muli %mul3A_130, %add3A_88 : i32
      %add3A_132 = arith.constant 0 : i32
      %add3A_133 = arith.addi %mul3A_131, %add3A_132 : i32
      %dma_start3A_134 = arith.constant 0 : i32
      %dma_start3A_135 = tpu.memref_slice %arg7[%add3A_133, %dma_start3A_134] : memref<100x100xi32, #tpu.memory_space<vmem>> -> memref<1x100xi32, #tpu.memory_space<vmem>>
      %dma_start3A_136 = tpu.memref_squeeze %dma_start3A_135 : memref<1x100xi32, #tpu.memory_space<vmem>> -> memref<100xi32, #tpu.memory_space<vmem>>
      %dma_start3A_137 = arith.constant 0 : i32
      %dma_start3A_138 = arith.constant 0 : i32
      %dma_start3A_139 = tpu.memref_slice %arg10[%dma_start3A_137, %dma_start3A_138] : memref<10008x128xf32, #tpu.memory_space<vmem_shared>> -> memref<10008x128xf32, #tpu.memory_space<vmem_shared>>
      tpu.enqueue_indirect_dma source(%arg8 : memref<100x128xf32, #tpu.memory_space<vmem>>) target(%dma_start3A_139 : memref<10008x128xf32, #tpu.memory_space<vmem_shared>>) offsets(%dma_start3A_136 : memref<100xi32, #tpu.memory_space<vmem>>) semaphore(%arg13 : memref<!tpu.dma_semaphore, #tpu.memory_space<semaphore_mem>>) {add = true}
      %dma_wait3A_140 = arith.constant 0 : i32
      %dma_wait3A_141 = arith.constant 0 : i32
      %dma_wait3A_142 = tpu.memref_slice %arg6[%dma_wait3A_140, %dma_wait3A_141] : memref<100x100xi32, #tpu.memory_space<vmem>> -> memref<1x100xi32, #tpu.memory_space<vmem>>
      %dma_wait3A_143 = tpu.memref_squeeze %dma_wait3A_142 : memref<1x100xi32, #tpu.memory_space<vmem>> -> memref<100xi32, #tpu.memory_space<vmem>>
      %dma_wait3A_144 = arith.constant 0 : i32
      %dma_wait3A_145 = arith.constant 0 : i32
      %dma_wait3A_146 = tpu.memref_slice %arg2[%dma_wait3A_144, %dma_wait3A_145] : memref<10000x128xf32, #tpu.memory_space<hbm>> -> memref<10000x128xf32, #tpu.memory_space<hbm>>
      tpu.wait_indirect_dma semaphore(%arg12 : memref<!tpu.dma_semaphore, #tpu.memory_space<semaphore_mem>>) src(%dma_wait3A_146 : memref<10000x128xf32, #tpu.memory_space<hbm>>) dst(%arg9 : memref<100x128xf32, #tpu.memory_space<vmem>>)
      %mul3A_147 = arith.constant 2 : i32
      %mul3A_148 = arith.muli %mul3A_147, %add3A_88 : i32
      %add3A_149 = arith.constant 1 : i32
      %add3A_150 = arith.addi %mul3A_148, %add3A_149 : i32
      %dma_start3A_151 = arith.constant 0 : i32
      %dma_start3A_152 = tpu.memref_slice %arg7[%add3A_150, %dma_start3A_151] : memref<100x100xi32, #tpu.memory_space<vmem>> -> memref<1x100xi32, #tpu.memory_space<vmem>>
      %dma_start3A_153 = tpu.memref_squeeze %dma_start3A_152 : memref<1x100xi32, #tpu.memory_space<vmem>> -> memref<100xi32, #tpu.memory_space<vmem>>
      %dma_start3A_154 = arith.constant 0 : i32
      %dma_start3A_155 = arith.constant 0 : i32
      %dma_start3A_156 = tpu.memref_slice %arg10[%dma_start3A_154, %dma_start3A_155] : memref<10008x128xf32, #tpu.memory_space<vmem_shared>> -> memref<10008x128xf32, #tpu.memory_space<vmem_shared>>
      tpu.enqueue_indirect_dma source(%arg9 : memref<100x128xf32, #tpu.memory_space<vmem>>) target(%dma_start3A_156 : memref<10008x128xf32, #tpu.memory_space<vmem_shared>>) offsets(%dma_start3A_153 : memref<100xi32, #tpu.memory_space<vmem>>) semaphore(%arg14 : memref<!tpu.dma_semaphore, #tpu.memory_space<semaphore_mem>>) {add = true}
    }
    %scan3A_66 = arith.constant 49 : i32
    %dma_wait3A_67 = arith.constant 0 : i32
    %dma_wait3A_68 = arith.constant 0 : i32
    %dma_wait3A_69 = tpu.memref_slice %arg7[%dma_wait3A_67, %dma_wait3A_68] : memref<100x100xi32, #tpu.memory_space<vmem>> -> memref<1x100xi32, #tpu.memory_space<vmem>>
    %dma_wait3A_70 = tpu.memref_squeeze %dma_wait3A_69 : memref<1x100xi32, #tpu.memory_space<vmem>> -> memref<100xi32, #tpu.memory_space<vmem>>
    %dma_wait3A_71 = arith.constant 0 : i32
    %dma_wait3A_72 = arith.constant 0 : i32
    %dma_wait3A_73 = tpu.memref_slice %arg10[%dma_wait3A_71, %dma_wait3A_72] : memref<10008x128xf32, #tpu.memory_space<vmem_shared>> -> memref<10008x128xf32, #tpu.memory_space<vmem_shared>>
    tpu.wait_indirect_dma semaphore(%arg13 : memref<!tpu.dma_semaphore, #tpu.memory_space<semaphore_mem>>) src(%arg8 : memref<100x128xf32, #tpu.memory_space<vmem>>) dst(%dma_wait3A_73 : memref<10008x128xf32, #tpu.memory_space<vmem_shared>>)
    %dma_wait3A_74 = arith.constant 0 : i32
    %dma_wait3A_75 = arith.constant 0 : i32
    %dma_wait3A_76 = tpu.memref_slice %arg7[%dma_wait3A_74, %dma_wait3A_75] : memref<100x100xi32, #tpu.memory_space<vmem>> -> memref<1x100xi32, #tpu.memory_space<vmem>>
    %dma_wait3A_77 = tpu.memref_squeeze %dma_wait3A_76 : memref<1x100xi32, #tpu.memory_space<vmem>> -> memref<100xi32, #tpu.memory_space<vmem>>
    %dma_wait3A_78 = arith.constant 0 : i32
    %dma_wait3A_79 = arith.constant 0 : i32
    %dma_wait3A_80 = tpu.memref_slice %arg10[%dma_wait3A_78, %dma_wait3A_79] : memref<10008x128xf32, #tpu.memory_space<vmem_shared>> -> memref<10008x128xf32, #tpu.memory_space<vmem_shared>>
    tpu.wait_indirect_dma semaphore(%arg14 : memref<!tpu.dma_semaphore, #tpu.memory_space<semaphore_mem>>) src(%arg9 : memref<100x128xf32, #tpu.memory_space<vmem>>) dst(%dma_wait3A_80 : memref<10008x128xf32, #tpu.memory_space<vmem_shared>>)
    %barrier3A_81 = arith.constant 0 : index
    tpu.barrier barrier_id(%barrier3A_81)
    %mul3A_82 = arith.constant 625 : i32
    %mul3A_83 = arith.muli %arg1, %mul3A_82 : i32
    "tpu.region"() ({
      %run_scoped3A = tpu.sem_alloc : memref<!tpu.dma_semaphore, #tpu.memory_space<semaphore_mem>>
      %dma_start3A_84 = arith.constant 0 : i32
      %dma_start3A_85 = tpu.memref_slice %arg5[%arg0, %mul3A_83, %dma_start3A_84] : memref<2x10008x128xf32, #tpu.memory_space<hbm>> -> memref<1x625x128xf32, #tpu.memory_space<hbm>>
      %dma_start3A_86 = tpu.memref_squeeze %dma_start3A_85 : memref<1x625x128xf32, #tpu.memory_space<hbm>> -> memref<625x128xf32, #tpu.memory_space<hbm>>
      %dma_start3A_87 = arith.constant 0 : i32
      %dma_start3A_88 = tpu.memref_slice %arg10[%mul3A_83, %dma_start3A_87] : memref<10008x128xf32, #tpu.memory_space<vmem_shared>> -> memref<625x128xf32, #tpu.memory_space<vmem_shared>>
      tpu.enqueue_dma source(%dma_start3A_88 : memref<625x128xf32, #tpu.memory_space<vmem_shared>>) target(%dma_start3A_86 : memref<625x128xf32, #tpu.memory_space<hbm>>) target_semaphore(%run_scoped3A : memref<!tpu.dma_semaphore, #tpu.memory_space<semaphore_mem>>)
      %dma_wait3A_89 = arith.constant 0 : i32
      %dma_wait3A_90 = tpu.memref_slice %arg5[%arg0, %mul3A_83, %dma_wait3A_89] : memref<2x10008x128xf32, #tpu.memory_space<hbm>> -> memref<1x625x128xf32, #tpu.memory_space<hbm>>
      %dma_wait3A_91 = tpu.memref_squeeze %dma_wait3A_90 : memref<1x625x128xf32, #tpu.memory_space<hbm>> -> memref<625x128xf32, #tpu.memory_space<hbm>>
      %dma_wait3A_92 = arith.constant 0 : i32
      %dma_wait3A_93 = tpu.memref_slice %arg10[%mul3A_83, %dma_wait3A_92] : memref<10008x128xf32, #tpu.memory_space<vmem_shared>> -> memref<625x128xf32, #tpu.memory_space<vmem_shared>>
      tpu.wait_dma2 semaphore(%run_scoped3A : memref<!tpu.dma_semaphore, #tpu.memory_space<semaphore_mem>>) src(%dma_wait3A_93 : memref<625x128xf32, #tpu.memory_space<vmem_shared>>) dst(%dma_wait3A_91 : memref<625x128xf32, #tpu.memory_space<hbm>>)
      tpu.yield
    }) : () -> ()
    return
  }
}

#map = affine_map<(d0, d1) -> (0)>
#map1 = affine_map<(d0, d1) -> (0, 0, 0)>
module attributes {stable_mosaic.version = 14 : i64} {
  func.func @_sc_hist(%arg0: i32, %arg1: i32, %arg2: memref<320000xi32, #tpu.memory_space<hbm>>, %arg3: memref<2x10240x16xf32, #tpu.memory_space<hbm>>, %arg4: memref<2000xi32, #tpu.memory_space<vmem>>, %arg5: memref<2000x16xf32, #tpu.memory_space<vmem>>, %arg6: memref<640x16xf32, #tpu.memory_space<vmem>>, %arg7: memref<10240x16xf32, #tpu.memory_space<vmem_shared>>) attributes {dimension_semantics = [#tpu.dimension_semantics<core_parallel>, #tpu.dimension_semantics<subcore_parallel>], iteration_bounds = array<i64: 2, 16>, scalar_prefetch = 0 : i64, scratch_operands = 4 : i64, tpu.core_type = #tpu.core_type<sc_vector_subcore>, window_params = [{transform_indices = #map}, {transform_indices = #map1}]} {
    %broadcast_in_dim3A = arith.constant 1.000000e+00 : f32
    %broadcast_in_dim3A_0 = vector.broadcast %broadcast_in_dim3A : f32 to vector<16xf32>
    %broadcast_in_dim3A_1 = arith.constant 0.000000e+00 : f32
    %broadcast_in_dim3A_2 = vector.broadcast %broadcast_in_dim3A_1 : f32 to vector<16xf32>
    %scan3A = arith.constant 0 : i32
    %scan3A_3 = arith.constant 2000 : i32
    %scan3A_4 = arith.addi %scan3A, %scan3A_3 : i32
    %scan3A_5 = arith.constant 1 : i32
    scf.for %scan3A_25 = %scan3A to %scan3A_4 step %scan3A_5  : i32 {
      %mul3A_26 = arith.constant 1 : i32
      %mul3A_27 = arith.muli %scan3A_25, %mul3A_26 : i32
      %add3A_28 = arith.constant 0 : i32
      %add3A_29 = arith.addi %add3A_28, %mul3A_27 : i32
      %swap3A = arith.index_cast %add3A_29 : i32 to index
      %swap3A_30 = arith.constant 0 : index
      %swap3A_31 = tpu.vector_load %arg5[%swap3A, %swap3A_30] {strides = array<i32>} : memref<2000x16xf32, #tpu.memory_space<vmem>>, vector<1x16xf32>,
      %swap3A_32 = vector.shape_cast %swap3A_31 : vector<1x16xf32> to vector<16xf32>
      %swap3A_33 = vector.shape_cast %broadcast_in_dim3A_0 : vector<16xf32> to vector<1x16xf32>
      tpu.vector_store %arg5[%swap3A, %swap3A_30], %swap3A_33 {strides = array<i32>} : memref<2000x16xf32, #tpu.memory_space<vmem>>, vector<1x16xf32>,
    }
    %scan3A_6 = arith.constant 2000 : i32
    %scan3A_7 = arith.constant 0 : i32
    %scan3A_8 = arith.constant 640 : i32
    %scan3A_9 = arith.addi %scan3A_7, %scan3A_8 : i32
    %scan3A_10 = arith.constant 1 : i32
    scf.for %scan3A_25 = %scan3A_7 to %scan3A_9 step %scan3A_10  : i32 {
      %mul3A_26 = arith.constant 1 : i32
      %mul3A_27 = arith.muli %scan3A_25, %mul3A_26 : i32
      %add3A_28 = arith.constant 0 : i32
      %add3A_29 = arith.addi %add3A_28, %mul3A_27 : i32
      %swap3A = arith.index_cast %add3A_29 : i32 to index
      %swap3A_30 = arith.constant 0 : index
      %swap3A_31 = tpu.vector_load %arg6[%swap3A, %swap3A_30] {strides = array<i32>} : memref<640x16xf32, #tpu.memory_space<vmem>>, vector<1x16xf32>,
      %swap3A_32 = vector.shape_cast %swap3A_31 : vector<1x16xf32> to vector<16xf32>
      %swap3A_33 = vector.shape_cast %broadcast_in_dim3A_2 : vector<16xf32> to vector<1x16xf32>
      tpu.vector_store %arg6[%swap3A, %swap3A_30], %swap3A_33 {strides = array<i32>} : memref<640x16xf32, #tpu.memory_space<vmem>>, vector<1x16xf32>,
    }
    %scan3A_11 = arith.constant 640 : i32
    %mul3A = arith.constant 640 : i32
    %mul3A_12 = arith.muli %arg1, %mul3A : i32
    "tpu.region"() ({
      %run_scoped3A = tpu.sem_alloc : memref<!tpu.dma_semaphore, #tpu.memory_space<semaphore_mem>>
      %dma_start3A = arith.constant 0 : i32
      %dma_start3A_25 = tpu.memref_slice %arg7[%mul3A_12, %dma_start3A] : memref<10240x16xf32, #tpu.memory_space<vmem_shared>> -> memref<640x16xf32, #tpu.memory_space<vmem_shared>>
      %dma_start3A_26 = arith.constant 0 : i32
      %dma_start3A_27 = tpu.memref_slice %arg7[%mul3A_12, %dma_start3A_26] : memref<10240x16xf32, #tpu.memory_space<vmem_shared>> -> memref<640x16xf32, #tpu.memory_space<vmem_shared>>
      tpu.enqueue_dma source(%arg6 : memref<640x16xf32, #tpu.memory_space<vmem>>) target(%dma_start3A_27 : memref<640x16xf32, #tpu.memory_space<vmem_shared>>) target_semaphore(%run_scoped3A : memref<!tpu.dma_semaphore, #tpu.memory_space<semaphore_mem>>)
      %dma_wait3A = arith.constant 0 : i32
      %dma_wait3A_28 = tpu.memref_slice %arg7[%mul3A_12, %dma_wait3A] : memref<10240x16xf32, #tpu.memory_space<vmem_shared>> -> memref<640x16xf32, #tpu.memory_space<vmem_shared>>
      %dma_wait3A_29 = arith.constant 0 : i32
      %dma_wait3A_30 = tpu.memref_slice %arg7[%mul3A_12, %dma_wait3A_29] : memref<10240x16xf32, #tpu.memory_space<vmem_shared>> -> memref<640x16xf32, #tpu.memory_space<vmem_shared>>
      tpu.wait_dma2 semaphore(%run_scoped3A : memref<!tpu.dma_semaphore, #tpu.memory_space<semaphore_mem>>) src(%arg6 : memref<640x16xf32, #tpu.memory_space<vmem>>) dst(%dma_wait3A_30 : memref<640x16xf32, #tpu.memory_space<vmem_shared>>)
      tpu.yield
    }) : () -> ()
    %barrier3A = arith.constant 0 : index
    tpu.barrier barrier_id(%barrier3A)
    %mul3A_13 = arith.constant 160000 : i32
    %mul3A_14 = arith.muli %arg0, %mul3A_13 : i32
    %mul3A_15 = arith.constant 10000 : i32
    %mul3A_16 = arith.muli %arg1, %mul3A_15 : i32
    %add3A = arith.addi %mul3A_14, %mul3A_16 : i32
    %scan3A_17 = arith.constant 0 : i32
    %scan3A_18 = arith.constant 5 : i32
    %scan3A_19 = arith.addi %scan3A_17, %scan3A_18 : i32
    %scan3A_20 = arith.constant 1 : i32
    scf.for %scan3A_25 = %scan3A_17 to %scan3A_19 step %scan3A_20  : i32 {
      %mul3A_26 = arith.constant 1 : i32
      %mul3A_27 = arith.muli %scan3A_25, %mul3A_26 : i32
      %add3A_28 = arith.constant 0 : i32
      %add3A_29 = arith.addi %add3A_28, %mul3A_27 : i32
      %mul3A_30 = arith.constant 2000 : i32
      %mul3A_31 = arith.muli %add3A_29, %mul3A_30 : i32
      %add3A_32 = arith.addi %add3A, %mul3A_31 : i32
      "tpu.region"() ({
        %run_scoped3A = tpu.sem_alloc : memref<!tpu.dma_semaphore, #tpu.memory_space<semaphore_mem>>
        %dma_start3A = tpu.memref_slice %arg2[%add3A_32] : memref<320000xi32, #tpu.memory_space<hbm>> -> memref<2000xi32, #tpu.memory_space<hbm>>
        %dma_start3A_33 = tpu.memref_slice %arg2[%add3A_32] : memref<320000xi32, #tpu.memory_space<hbm>> -> memref<2000xi32, #tpu.memory_space<hbm>>
        tpu.enqueue_dma source(%dma_start3A_33 : memref<2000xi32, #tpu.memory_space<hbm>>) target(%arg4 : memref<2000xi32, #tpu.memory_space<vmem>>) target_semaphore(%run_scoped3A : memref<!tpu.dma_semaphore, #tpu.memory_space<semaphore_mem>>)
        %dma_wait3A = tpu.memref_slice %arg2[%add3A_32] : memref<320000xi32, #tpu.memory_space<hbm>> -> memref<2000xi32, #tpu.memory_space<hbm>>
        %dma_wait3A_34 = tpu.memref_slice %arg2[%add3A_32] : memref<320000xi32, #tpu.memory_space<hbm>> -> memref<2000xi32, #tpu.memory_space<hbm>>
        tpu.wait_dma2 semaphore(%run_scoped3A : memref<!tpu.dma_semaphore, #tpu.memory_space<semaphore_mem>>) src(%dma_wait3A_34 : memref<2000xi32, #tpu.memory_space<hbm>>) dst(%arg4 : memref<2000xi32, #tpu.memory_space<vmem>>)
        tpu.yield
      }) : () -> ()
      "tpu.region"() ({
        %run_scoped3A = tpu.sem_alloc : memref<!tpu.dma_semaphore, #tpu.memory_space<semaphore_mem>>
        %dma_start3A = arith.constant 0 : i32
        %dma_start3A_33 = arith.constant 0 : i32
        %dma_start3A_34 = tpu.memref_slice %arg7[%dma_start3A, %dma_start3A_33] : memref<10240x16xf32, #tpu.memory_space<vmem_shared>> -> memref<10240x16xf32, #tpu.memory_space<vmem_shared>>
        tpu.enqueue_indirect_dma source(%arg5 : memref<2000x16xf32, #tpu.memory_space<vmem>>) target(%dma_start3A_34 : memref<10240x16xf32, #tpu.memory_space<vmem_shared>>) offsets(%arg4 : memref<2000xi32, #tpu.memory_space<vmem>>) semaphore(%run_scoped3A : memref<!tpu.dma_semaphore, #tpu.memory_space<semaphore_mem>>) {add = true}
        %dma_wait3A = arith.constant 0 : i32
        %dma_wait3A_35 = arith.constant 0 : i32
        %dma_wait3A_36 = tpu.memref_slice %arg7[%dma_wait3A, %dma_wait3A_35] : memref<10240x16xf32, #tpu.memory_space<vmem_shared>> -> memref<10240x16xf32, #tpu.memory_space<vmem_shared>>
        tpu.wait_indirect_dma semaphore(%run_scoped3A : memref<!tpu.dma_semaphore, #tpu.memory_space<semaphore_mem>>) src(%arg5 : memref<2000x16xf32, #tpu.memory_space<vmem>>) dst(%dma_wait3A_36 : memref<10240x16xf32, #tpu.memory_space<vmem_shared>>)
        tpu.yield
      }) : () -> ()
    }
    %scan3A_21 = arith.constant 5 : i32
    %barrier3A_22 = arith.constant 0 : index
    tpu.barrier barrier_id(%barrier3A_22)
    %mul3A_23 = arith.constant 640 : i32
    %mul3A_24 = arith.muli %arg1, %mul3A_23 : i32
    "tpu.region"() ({
      %run_scoped3A = tpu.sem_alloc : memref<!tpu.dma_semaphore, #tpu.memory_space<semaphore_mem>>
      %dma_start3A = arith.constant 0 : i32
      %dma_start3A_25 = tpu.memref_slice %arg3[%arg0, %mul3A_24, %dma_start3A] : memref<2x10240x16xf32, #tpu.memory_space<hbm>> -> memref<1x640x16xf32, #tpu.memory_space<hbm>>
      %dma_start3A_26 = tpu.memref_squeeze %dma_start3A_25 : memref<1x640x16xf32, #tpu.memory_space<hbm>> -> memref<640x16xf32, #tpu.memory_space<hbm>>
      %dma_start3A_27 = arith.constant 0 : i32
      %dma_start3A_28 = tpu.memref_slice %arg7[%mul3A_24, %dma_start3A_27] : memref<10240x16xf32, #tpu.memory_space<vmem_shared>> -> memref<640x16xf32, #tpu.memory_space<vmem_shared>>
      tpu.enqueue_dma source(%dma_start3A_28 : memref<640x16xf32, #tpu.memory_space<vmem_shared>>) target(%dma_start3A_26 : memref<640x16xf32, #tpu.memory_space<hbm>>) target_semaphore(%run_scoped3A : memref<!tpu.dma_semaphore, #tpu.memory_space<semaphore_mem>>)
      %dma_wait3A = arith.constant 0 : i32
      %dma_wait3A_29 = tpu.memref_slice %arg3[%arg0, %mul3A_24, %dma_wait3A] : memref<2x10240x16xf32, #tpu.memory_space<hbm>> -> memref<1x640x16xf32, #tpu.memory_space<hbm>>
      %dma_wait3A_30 = tpu.memref_squeeze %dma_wait3A_29 : memref<1x640x16xf32, #tpu.memory_space<hbm>> -> memref<640x16xf32, #tpu.memory_space<hbm>>
      %dma_wait3A_31 = arith.constant 0 : i32
      %dma_wait3A_32 = tpu.memref_slice %arg7[%mul3A_24, %dma_wait3A_31] : memref<10240x16xf32, #tpu.memory_space<vmem_shared>> -> memref<640x16xf32, #tpu.memory_space<vmem_shared>>
      tpu.wait_dma2 semaphore(%run_scoped3A : memref<!tpu.dma_semaphore, #tpu.memory_space<semaphore_mem>>) src(%dma_wait3A_32 : memref<640x16xf32, #tpu.memory_space<vmem_shared>>) dst(%dma_wait3A_30 : memref<640x16xf32, #tpu.memory_space<hbm>>)
      tpu.yield
    }) : () -> ()
    return
  }
}

#map = affine_map<(d0, d1) -> (0, 0)>
#map1 = affine_map<(d0, d1) -> (0, 0, 0)>
module attributes {stable_mosaic.version = 14 : i64} {
  func.func @_sc_seg(%arg0: i32, %arg1: i32, %arg2: memref<10000x128xf32, #tpu.memory_space<hbm>>, %arg3: memref<32x100x100xi32, #tpu.memory_space<hbm>>, %arg4: memref<32x100x100xi32, #tpu.memory_space<hbm>>, %arg5: memref<2x10008x128xf32, #tpu.memory_space<hbm>>, %arg6: memref<100x100xi32, #tpu.memory_space<vmem>>, %arg7: memref<100x100xi32, #tpu.memory_space<vmem>>, %arg8: memref<100x128xf32, #tpu.memory_space<vmem>>, %arg9: memref<100x128xf32, #tpu.memory_space<vmem>>, %arg10: memref<10008x128xf32, #tpu.memory_space<vmem_shared>>, %arg11: memref<!tpu.dma_semaphore, #tpu.memory_space<semaphore_mem>>, %arg12: memref<!tpu.dma_semaphore, #tpu.memory_space<semaphore_mem>>, %arg13: memref<!tpu.dma_semaphore, #tpu.memory_space<semaphore_mem>>, %arg14: memref<!tpu.dma_semaphore, #tpu.memory_space<semaphore_mem>>) attributes {dimension_semantics = [#tpu.dimension_semantics<core_parallel>, #tpu.dimension_semantics<subcore_parallel>], iteration_bounds = array<i64: 2, 16>, scalar_prefetch = 0 : i64, scratch_operands = 9 : i64, tpu.core_type = #tpu.core_type<sc_vector_subcore>, window_params = [{transform_indices = #map}, {transform_indices = #map1}, {transform_indices = #map1}, {transform_indices = #map1}]} {
    %mul3A = arith.constant 16 : i32
    %mul3A_0 = arith.muli %arg0, %mul3A : i32
    %add3A = arith.addi %mul3A_0, %arg1 : i32
    "tpu.region"() ({
      %run_scoped3A = tpu.sem_alloc : memref<!tpu.dma_semaphore, #tpu.memory_space<semaphore_mem>>
      %dma_start3A_84 = arith.constant 0 : i32
      %dma_start3A_85 = arith.constant 0 : i32
      %dma_start3A_86 = tpu.memref_slice %arg3[%add3A, %dma_start3A_84, %dma_start3A_85] : memref<32x100x100xi32, #tpu.memory_space<hbm>> -> memref<1x100x100xi32, #tpu.memory_space<hbm>>
      %dma_start3A_87 = tpu.memref_squeeze %dma_start3A_86 : memref<1x100x100xi32, #tpu.memory_space<hbm>> -> memref<100x100xi32, #tpu.memory_space<hbm>>
      %dma_start3A_88 = arith.constant 0 : i32
      %dma_start3A_89 = arith.constant 0 : i32
      %dma_start3A_90 = tpu.memref_slice %arg3[%add3A, %dma_start3A_88, %dma_start3A_89] : memref<32x100x100xi32, #tpu.memory_space<hbm>> -> memref<1x100x100xi32, #tpu.memory_space<hbm>>
      %dma_start3A_91 = tpu.memref_squeeze %dma_start3A_90 : memref<1x100x100xi32, #tpu.memory_space<hbm>> -> memref<100x100xi32, #tpu.memory_space<hbm>>
      tpu.enqueue_dma source(%dma_start3A_91 : memref<100x100xi32, #tpu.memory_space<hbm>>) target(%arg6 : memref<100x100xi32, #tpu.memory_space<vmem>>) target_semaphore(%run_scoped3A : memref<!tpu.dma_semaphore, #tpu.memory_space<semaphore_mem>>)
      %dma_wait3A_92 = arith.constant 0 : i32
      %dma_wait3A_93 = arith.constant 0 : i32
      %dma_wait3A_94 = tpu.memref_slice %arg3[%add3A, %dma_wait3A_92, %dma_wait3A_93] : memref<32x100x100xi32, #tpu.memory_space<hbm>> -> memref<1x100x100xi32, #tpu.memory_space<hbm>>
      %dma_wait3A_95 = tpu.memref_squeeze %dma_wait3A_94 : memref<1x100x100xi32, #tpu.memory_space<hbm>> -> memref<100x100xi32, #tpu.memory_space<hbm>>
      %dma_wait3A_96 = arith.constant 0 : i32
      %dma_wait3A_97 = arith.constant 0 : i32
      %dma_wait3A_98 = tpu.memref_slice %arg3[%add3A, %dma_wait3A_96, %dma_wait3A_97] : memref<32x100x100xi32, #tpu.memory_space<hbm>> -> memref<1x100x100xi32, #tpu.memory_space<hbm>>
      %dma_wait3A_99 = tpu.memref_squeeze %dma_wait3A_98 : memref<1x100x100xi32, #tpu.memory_space<hbm>> -> memref<100x100xi32, #tpu.memory_space<hbm>>
      tpu.wait_dma2 semaphore(%run_scoped3A : memref<!tpu.dma_semaphore, #tpu.memory_space<semaphore_mem>>) src(%dma_wait3A_99 : memref<100x100xi32, #tpu.memory_space<hbm>>) dst(%arg6 : memref<100x100xi32, #tpu.memory_space<vmem>>)
      tpu.yield
    }) : () -> ()
    "tpu.region"() ({
      %run_scoped3A = tpu.sem_alloc : memref<!tpu.dma_semaphore, #tpu.memory_space<semaphore_mem>>
      %dma_start3A_84 = arith.constant 0 : i32
      %dma_start3A_85 = arith.constant 0 : i32
      %dma_start3A_86 = tpu.memref_slice %arg4[%add3A, %dma_start3A_84, %dma_start3A_85] : memref<32x100x100xi32, #tpu.memory_space<hbm>> -> memref<1x100x100xi32, #tpu.memory_space<hbm>>
      %dma_start3A_87 = tpu.memref_squeeze %dma_start3A_86 : memref<1x100x100xi32, #tpu.memory_space<hbm>> -> memref<100x100xi32, #tpu.memory_space<hbm>>
      %dma_start3A_88 = arith.constant 0 : i32
      %dma_start3A_89 = arith.constant 0 : i32
      %dma_start3A_90 = tpu.memref_slice %arg4[%add3A, %dma_start3A_88, %dma_start3A_89] : memref<32x100x100xi32, #tpu.memory_space<hbm>> -> memref<1x100x100xi32, #tpu.memory_space<hbm>>
      %dma_start3A_91 = tpu.memref_squeeze %dma_start3A_90 : memref<1x100x100xi32, #tpu.memory_space<hbm>> -> memref<100x100xi32, #tpu.memory_space<hbm>>
      tpu.enqueue_dma source(%dma_start3A_91 : memref<100x100xi32, #tpu.memory_space<hbm>>) target(%arg7 : memref<100x100xi32, #tpu.memory_space<vmem>>) target_semaphore(%run_scoped3A : memref<!tpu.dma_semaphore, #tpu.memory_space<semaphore_mem>>)
      %dma_wait3A_92 = arith.constant 0 : i32
      %dma_wait3A_93 = arith.constant 0 : i32
      %dma_wait3A_94 = tpu.memref_slice %arg4[%add3A, %dma_wait3A_92, %dma_wait3A_93] : memref<32x100x100xi32, #tpu.memory_space<hbm>> -> memref<1x100x100xi32, #tpu.memory_space<hbm>>
      %dma_wait3A_95 = tpu.memref_squeeze %dma_wait3A_94 : memref<1x100x100xi32, #tpu.memory_space<hbm>> -> memref<100x100xi32, #tpu.memory_space<hbm>>
      %dma_wait3A_96 = arith.constant 0 : i32
      %dma_wait3A_97 = arith.constant 0 : i32
      %dma_wait3A_98 = tpu.memref_slice %arg4[%add3A, %dma_wait3A_96, %dma_wait3A_97] : memref<32x100x100xi32, #tpu.memory_space<hbm>> -> memref<1x100x100xi32, #tpu.memory_space<hbm>>
      %dma_wait3A_99 = tpu.memref_squeeze %dma_wait3A_98 : memref<1x100x100xi32, #tpu.memory_space<hbm>> -> memref<100x100xi32, #tpu.memory_space<hbm>>
      tpu.wait_dma2 semaphore(%run_scoped3A : memref<!tpu.dma_semaphore, #tpu.memory_space<semaphore_mem>>) src(%dma_wait3A_99 : memref<100x100xi32, #tpu.memory_space<hbm>>) dst(%arg7 : memref<100x100xi32, #tpu.memory_space<vmem>>)
      tpu.yield
    }) : () -> ()
    %broadcast_in_dim3A = arith.constant 0.000000e+00 : f32
    %broadcast_in_dim3A_1 = vector.broadcast %broadcast_in_dim3A : f32 to vector<16xf32>
    %scan3A = arith.constant 0 : i32
    %scan3A_2 = arith.constant 100 : i32
    %scan3A_3 = arith.addi %scan3A, %scan3A_2 : i32
    %scan3A_4 = arith.constant 1 : i32
    scf.for %scan3A_84 = %scan3A to %scan3A_3 step %scan3A_4  : i32 {
      %mul3A_85 = arith.constant 1 : i32
      %mul3A_86 = arith.muli %scan3A_84, %mul3A_85 : i32
      %add3A_87 = arith.constant 0 : i32
      %add3A_88 = arith.addi %add3A_87, %mul3A_86 : i32
      %swap3A = arith.index_cast %add3A_88 : i32 to index
      %swap3A_89 = arith.constant 0 : index
      %swap3A_90 = tpu.vector_load %arg8[%swap3A, %swap3A_89] {strides = array<i32>} : memref<100x128xf32, #tpu.memory_space<vmem>>, vector<1x16xf32>,
      %swap3A_91 = vector.shape_cast %swap3A_90 : vector<1x16xf32> to vector<16xf32>
      %swap3A_92 = vector.shape_cast %broadcast_in_dim3A_1 : vector<16xf32> to vector<1x16xf32>
      tpu.vector_store %arg8[%swap3A, %swap3A_89], %swap3A_92 {strides = array<i32>} : memref<100x128xf32, #tpu.memory_space<vmem>>, vector<1x16xf32>,
      %swap3A_93 = arith.index_cast %add3A_88 : i32 to index
      %swap3A_94 = arith.constant 16 : index
      %swap3A_95 = tpu.vector_load %arg8[%swap3A_93, %swap3A_94] {strides = array<i32>} : memref<100x128xf32, #tpu.memory_space<vmem>>, vector<1x16xf32>,
      %swap3A_96 = vector.shape_cast %swap3A_95 : vector<1x16xf32> to vector<16xf32>
      %swap3A_97 = vector.shape_cast %broadcast_in_dim3A_1 : vector<16xf32> to vector<1x16xf32>
      tpu.vector_store %arg8[%swap3A_93, %swap3A_94], %swap3A_97 {strides = array<i32>} : memref<100x128xf32, #tpu.memory_space<vmem>>, vector<1x16xf32>,
      %swap3A_98 = arith.index_cast %add3A_88 : i32 to index
      %swap3A_99 = arith.constant 32 : index
      %swap3A_100 = tpu.vector_load %arg8[%swap3A_98, %swap3A_99] {strides = array<i32>} : memref<100x128xf32, #tpu.memory_space<vmem>>, vector<1x16xf32>,
      %swap3A_101 = vector.shape_cast %swap3A_100 : vector<1x16xf32> to vector<16xf32>
      %swap3A_102 = vector.shape_cast %broadcast_in_dim3A_1 : vector<16xf32> to vector<1x16xf32>
      tpu.vector_store %arg8[%swap3A_98, %swap3A_99], %swap3A_102 {strides = array<i32>} : memref<100x128xf32, #tpu.memory_space<vmem>>, vector<1x16xf32>,
      %swap3A_103 = arith.index_cast %add3A_88 : i32 to index
      %swap3A_104 = arith.constant 48 : index
      %swap3A_105 = tpu.vector_load %arg8[%swap3A_103, %swap3A_104] {strides = array<i32>} : memref<100x128xf32, #tpu.memory_space<vmem>>, vector<1x16xf32>,
      %swap3A_106 = vector.shape_cast %swap3A_105 : vector<1x16xf32> to vector<16xf32>
      %swap3A_107 = vector.shape_cast %broadcast_in_dim3A_1 : vector<16xf32> to vector<1x16xf32>
      tpu.vector_store %arg8[%swap3A_103, %swap3A_104], %swap3A_107 {strides = array<i32>} : memref<100x128xf32, #tpu.memory_space<vmem>>, vector<1x16xf32>,
      %swap3A_108 = arith.index_cast %add3A_88 : i32 to index
      %swap3A_109 = arith.constant 64 : index
      %swap3A_110 = tpu.vector_load %arg8[%swap3A_108, %swap3A_109] {strides = array<i32>} : memref<100x128xf32, #tpu.memory_space<vmem>>, vector<1x16xf32>,
      %swap3A_111 = vector.shape_cast %swap3A_110 : vector<1x16xf32> to vector<16xf32>
      %swap3A_112 = vector.shape_cast %broadcast_in_dim3A_1 : vector<16xf32> to vector<1x16xf32>
      tpu.vector_store %arg8[%swap3A_108, %swap3A_109], %swap3A_112 {strides = array<i32>} : memref<100x128xf32, #tpu.memory_space<vmem>>, vector<1x16xf32>,
      %swap3A_113 = arith.index_cast %add3A_88 : i32 to index
      %swap3A_114 = arith.constant 80 : index
      %swap3A_115 = tpu.vector_load %arg8[%swap3A_113, %swap3A_114] {strides = array<i32>} : memref<100x128xf32, #tpu.memory_space<vmem>>, vector<1x16xf32>,
      %swap3A_116 = vector.shape_cast %swap3A_115 : vector<1x16xf32> to vector<16xf32>
      %swap3A_117 = vector.shape_cast %broadcast_in_dim3A_1 : vector<16xf32> to vector<1x16xf32>
      tpu.vector_store %arg8[%swap3A_113, %swap3A_114], %swap3A_117 {strides = array<i32>} : memref<100x128xf32, #tpu.memory_space<vmem>>, vector<1x16xf32>,
      %swap3A_118 = arith.index_cast %add3A_88 : i32 to index
      %swap3A_119 = arith.constant 96 : index
      %swap3A_120 = tpu.vector_load %arg8[%swap3A_118, %swap3A_119] {strides = array<i32>} : memref<100x128xf32, #tpu.memory_space<vmem>>, vector<1x16xf32>,
      %swap3A_121 = vector.shape_cast %swap3A_120 : vector<1x16xf32> to vector<16xf32>
      %swap3A_122 = vector.shape_cast %broadcast_in_dim3A_1 : vector<16xf32> to vector<1x16xf32>
      tpu.vector_store %arg8[%swap3A_118, %swap3A_119], %swap3A_122 {strides = array<i32>} : memref<100x128xf32, #tpu.memory_space<vmem>>, vector<1x16xf32>,
      %swap3A_123 = arith.index_cast %add3A_88 : i32 to index
      %swap3A_124 = arith.constant 112 : index
      %swap3A_125 = tpu.vector_load %arg8[%swap3A_123, %swap3A_124] {strides = array<i32>} : memref<100x128xf32, #tpu.memory_space<vmem>>, vector<1x16xf32>,
      %swap3A_126 = vector.shape_cast %swap3A_125 : vector<1x16xf32> to vector<16xf32>
      %swap3A_127 = vector.shape_cast %broadcast_in_dim3A_1 : vector<16xf32> to vector<1x16xf32>
      tpu.vector_store %arg8[%swap3A_123, %swap3A_124], %swap3A_127 {strides = array<i32>} : memref<100x128xf32, #tpu.memory_space<vmem>>, vector<1x16xf32>,
    }
    %scan3A_5 = arith.constant 100 : i32
    %mul3A_6 = arith.constant 625 : i32
    %mul3A_7 = arith.muli %arg1, %mul3A_6 : i32
    %add3A_8 = arith.constant 0 : i32
    %add3A_9 = arith.addi %mul3A_7, %add3A_8 : i32
    "tpu.region"() ({
      %run_scoped3A = tpu.sem_alloc : memref<!tpu.dma_semaphore, #tpu.memory_space<semaphore_mem>>
      %dma_start3A_84 = arith.constant 0 : i32
      %dma_start3A_85 = arith.constant 0 : i32
      %dma_start3A_86 = tpu.memref_slice %arg8[%dma_start3A_84, %dma_start3A_85] : memref<100x128xf32, #tpu.memory_space<vmem>> -> memref<100x128xf32, #tpu.memory_space<vmem>>
      %dma_start3A_87 = arith.constant 0 : i32
      %dma_start3A_88 = tpu.memref_slice %arg10[%add3A_9, %dma_start3A_87] : memref<10008x128xf32, #tpu.memory_space<vmem_shared>> -> memref<100x128xf32, #tpu.memory_space<vmem_shared>>
      %dma_start3A_89 = arith.constant 0 : i32
      %dma_start3A_90 = tpu.memref_slice %arg10[%add3A_9, %dma_start3A_89] : memref<10008x128xf32, #tpu.memory_space<vmem_shared>> -> memref<100x128xf32, #tpu.memory_space<vmem_shared>>
      %dma_start3A_91 = arith.constant 0 : i32
      %dma_start3A_92 = arith.constant 0 : i32
      %dma_start3A_93 = tpu.memref_slice %arg8[%dma_start3A_91, %dma_start3A_92] : memref<100x128xf32, #tpu.memory_space<vmem>> -> memref<100x128xf32, #tpu.memory_space<vmem>>
      tpu.enqueue_dma source(%dma_start3A_93 : memref<100x128xf32, #tpu.memory_space<vmem>>) target(%dma_start3A_90 : memref<100x128xf32, #tpu.memory_space<vmem_shared>>) target_semaphore(%run_scoped3A : memref<!tpu.dma_semaphore, #tpu.memory_space<semaphore_mem>>)
      %dma_wait3A_94 = arith.constant 0 : i32
      %dma_wait3A_95 = arith.constant 0 : i32
      %dma_wait3A_96 = tpu.memref_slice %arg8[%dma_wait3A_94, %dma_wait3A_95] : memref<100x128xf32, #tpu.memory_space<vmem>> -> memref<100x128xf32, #tpu.memory_space<vmem>>
      %dma_wait3A_97 = arith.constant 0 : i32
      %dma_wait3A_98 = tpu.memref_slice %arg10[%add3A_9, %dma_wait3A_97] : memref<10008x128xf32, #tpu.memory_space<vmem_shared>> -> memref<100x128xf32, #tpu.memory_space<vmem_shared>>
      %dma_wait3A_99 = arith.constant 0 : i32
      %dma_wait3A_100 = tpu.memref_slice %arg10[%add3A_9, %dma_wait3A_99] : memref<10008x128xf32, #tpu.memory_space<vmem_shared>> -> memref<100x128xf32, #tpu.memory_space<vmem_shared>>
      %dma_wait3A_101 = arith.constant 0 : i32
      %dma_wait3A_102 = arith.constant 0 : i32
      %dma_wait3A_103 = tpu.memref_slice %arg8[%dma_wait3A_101, %dma_wait3A_102] : memref<100x128xf32, #tpu.memory_space<vmem>> -> memref<100x128xf32, #tpu.memory_space<vmem>>
      tpu.wait_dma2 semaphore(%run_scoped3A : memref<!tpu.dma_semaphore, #tpu.memory_space<semaphore_mem>>) src(%dma_wait3A_103 : memref<100x128xf32, #tpu.memory_space<vmem>>) dst(%dma_wait3A_100 : memref<100x128xf32, #tpu.memory_space<vmem_shared>>)
      tpu.yield
    }) : () -> ()
    %add3A_10 = arith.constant 100 : i32
    %add3A_11 = arith.addi %mul3A_7, %add3A_10 : i32
    "tpu.region"() ({
      %run_scoped3A = tpu.sem_alloc : memref<!tpu.dma_semaphore, #tpu.memory_space<semaphore_mem>>
      %dma_start3A_84 = arith.constant 0 : i32
      %dma_start3A_85 = arith.constant 0 : i32
      %dma_start3A_86 = tpu.memref_slice %arg8[%dma_start3A_84, %dma_start3A_85] : memref<100x128xf32, #tpu.memory_space<vmem>> -> memref<100x128xf32, #tpu.memory_space<vmem>>
      %dma_start3A_87 = arith.constant 0 : i32
      %dma_start3A_88 = tpu.memref_slice %arg10[%add3A_11, %dma_start3A_87] : memref<10008x128xf32, #tpu.memory_space<vmem_shared>> -> memref<100x128xf32, #tpu.memory_space<vmem_shared>>
      %dma_start3A_89 = arith.constant 0 : i32
      %dma_start3A_90 = tpu.memref_slice %arg10[%add3A_11, %dma_start3A_89] : memref<10008x128xf32, #tpu.memory_space<vmem_shared>> -> memref<100x128xf32, #tpu.memory_space<vmem_shared>>
      %dma_start3A_91 = arith.constant 0 : i32
      %dma_start3A_92 = arith.constant 0 : i32
      %dma_start3A_93 = tpu.memref_slice %arg8[%dma_start3A_91, %dma_start3A_92] : memref<100x128xf32, #tpu.memory_space<vmem>> -> memref<100x128xf32, #tpu.memory_space<vmem>>
      tpu.enqueue_dma source(%dma_start3A_93 : memref<100x128xf32, #tpu.memory_space<vmem>>) target(%dma_start3A_90 : memref<100x128xf32, #tpu.memory_space<vmem_shared>>) target_semaphore(%run_scoped3A : memref<!tpu.dma_semaphore, #tpu.memory_space<semaphore_mem>>)
      %dma_wait3A_94 = arith.constant 0 : i32
      %dma_wait3A_95 = arith.constant 0 : i32
      %dma_wait3A_96 = tpu.memref_slice %arg8[%dma_wait3A_94, %dma_wait3A_95] : memref<100x128xf32, #tpu.memory_space<vmem>> -> memref<100x128xf32, #tpu.memory_space<vmem>>
      %dma_wait3A_97 = arith.constant 0 : i32
      %dma_wait3A_98 = tpu.memref_slice %arg10[%add3A_11, %dma_wait3A_97] : memref<10008x128xf32, #tpu.memory_space<vmem_shared>> -> memref<100x128xf32, #tpu.memory_space<vmem_shared>>
      %dma_wait3A_99 = arith.constant 0 : i32
      %dma_wait3A_100 = tpu.memref_slice %arg10[%add3A_11, %dma_wait3A_99] : memref<10008x128xf32, #tpu.memory_space<vmem_shared>> -> memref<100x128xf32, #tpu.memory_space<vmem_shared>>
      %dma_wait3A_101 = arith.constant 0 : i32
      %dma_wait3A_102 = arith.constant 0 : i32
      %dma_wait3A_103 = tpu.memref_slice %arg8[%dma_wait3A_101, %dma_wait3A_102] : memref<100x128xf32, #tpu.memory_space<vmem>> -> memref<100x128xf32, #tpu.memory_space<vmem>>
      tpu.wait_dma2 semaphore(%run_scoped3A : memref<!tpu.dma_semaphore, #tpu.memory_space<semaphore_mem>>) src(%dma_wait3A_103 : memref<100x128xf32, #tpu.memory_space<vmem>>) dst(%dma_wait3A_100 : memref<100x128xf32, #tpu.memory_space<vmem_shared>>)
      tpu.yield
    }) : () -> ()
    %add3A_12 = arith.constant 200 : i32
    %add3A_13 = arith.addi %mul3A_7, %add3A_12 : i32
    "tpu.region"() ({
      %run_scoped3A = tpu.sem_alloc : memref<!tpu.dma_semaphore, #tpu.memory_space<semaphore_mem>>
      %dma_start3A_84 = arith.constant 0 : i32
      %dma_start3A_85 = arith.constant 0 : i32
      %dma_start3A_86 = tpu.memref_slice %arg8[%dma_start3A_84, %dma_start3A_85] : memref<100x128xf32, #tpu.memory_space<vmem>> -> memref<100x128xf32, #tpu.memory_space<vmem>>
      %dma_start3A_87 = arith.constant 0 : i32
      %dma_start3A_88 = tpu.memref_slice %arg10[%add3A_13, %dma_start3A_87] : memref<10008x128xf32, #tpu.memory_space<vmem_shared>> -> memref<100x128xf32, #tpu.memory_space<vmem_shared>>
      %dma_start3A_89 = arith.constant 0 : i32
      %dma_start3A_90 = tpu.memref_slice %arg10[%add3A_13, %dma_start3A_89] : memref<10008x128xf32, #tpu.memory_space<vmem_shared>> -> memref<100x128xf32, #tpu.memory_space<vmem_shared>>
      %dma_start3A_91 = arith.constant 0 : i32
      %dma_start3A_92 = arith.constant 0 : i32
      %dma_start3A_93 = tpu.memref_slice %arg8[%dma_start3A_91, %dma_start3A_92] : memref<100x128xf32, #tpu.memory_space<vmem>> -> memref<100x128xf32, #tpu.memory_space<vmem>>
      tpu.enqueue_dma source(%dma_start3A_93 : memref<100x128xf32, #tpu.memory_space<vmem>>) target(%dma_start3A_90 : memref<100x128xf32, #tpu.memory_space<vmem_shared>>) target_semaphore(%run_scoped3A : memref<!tpu.dma_semaphore, #tpu.memory_space<semaphore_mem>>)
      %dma_wait3A_94 = arith.constant 0 : i32
      %dma_wait3A_95 = arith.constant 0 : i32
      %dma_wait3A_96 = tpu.memref_slice %arg8[%dma_wait3A_94, %dma_wait3A_95] : memref<100x128xf32, #tpu.memory_space<vmem>> -> memref<100x128xf32, #tpu.memory_space<vmem>>
      %dma_wait3A_97 = arith.constant 0 : i32
      %dma_wait3A_98 = tpu.memref_slice %arg10[%add3A_13, %dma_wait3A_97] : memref<10008x128xf32, #tpu.memory_space<vmem_shared>> -> memref<100x128xf32, #tpu.memory_space<vmem_shared>>
      %dma_wait3A_99 = arith.constant 0 : i32
      %dma_wait3A_100 = tpu.memref_slice %arg10[%add3A_13, %dma_wait3A_99] : memref<10008x128xf32, #tpu.memory_space<vmem_shared>> -> memref<100x128xf32, #tpu.memory_space<vmem_shared>>
      %dma_wait3A_101 = arith.constant 0 : i32
      %dma_wait3A_102 = arith.constant 0 : i32
      %dma_wait3A_103 = tpu.memref_slice %arg8[%dma_wait3A_101, %dma_wait3A_102] : memref<100x128xf32, #tpu.memory_space<vmem>> -> memref<100x128xf32, #tpu.memory_space<vmem>>
      tpu.wait_dma2 semaphore(%run_scoped3A : memref<!tpu.dma_semaphore, #tpu.memory_space<semaphore_mem>>) src(%dma_wait3A_103 : memref<100x128xf32, #tpu.memory_space<vmem>>) dst(%dma_wait3A_100 : memref<100x128xf32, #tpu.memory_space<vmem_shared>>)
      tpu.yield
    }) : () -> ()
    %add3A_14 = arith.constant 300 : i32
    %add3A_15 = arith.addi %mul3A_7, %add3A_14 : i32
    "tpu.region"() ({
      %run_scoped3A = tpu.sem_alloc : memref<!tpu.dma_semaphore, #tpu.memory_space<semaphore_mem>>
      %dma_start3A_84 = arith.constant 0 : i32
      %dma_start3A_85 = arith.constant 0 : i32
      %dma_start3A_86 = tpu.memref_slice %arg8[%dma_start3A_84, %dma_start3A_85] : memref<100x128xf32, #tpu.memory_space<vmem>> -> memref<100x128xf32, #tpu.memory_space<vmem>>
      %dma_start3A_87 = arith.constant 0 : i32
      %dma_start3A_88 = tpu.memref_slice %arg10[%add3A_15, %dma_start3A_87] : memref<10008x128xf32, #tpu.memory_space<vmem_shared>> -> memref<100x128xf32, #tpu.memory_space<vmem_shared>>
      %dma_start3A_89 = arith.constant 0 : i32
      %dma_start3A_90 = tpu.memref_slice %arg10[%add3A_15, %dma_start3A_89] : memref<10008x128xf32, #tpu.memory_space<vmem_shared>> -> memref<100x128xf32, #tpu.memory_space<vmem_shared>>
      %dma_start3A_91 = arith.constant 0 : i32
      %dma_start3A_92 = arith.constant 0 : i32
      %dma_start3A_93 = tpu.memref_slice %arg8[%dma_start3A_91, %dma_start3A_92] : memref<100x128xf32, #tpu.memory_space<vmem>> -> memref<100x128xf32, #tpu.memory_space<vmem>>
      tpu.enqueue_dma source(%dma_start3A_93 : memref<100x128xf32, #tpu.memory_space<vmem>>) target(%dma_start3A_90 : memref<100x128xf32, #tpu.memory_space<vmem_shared>>) target_semaphore(%run_scoped3A : memref<!tpu.dma_semaphore, #tpu.memory_space<semaphore_mem>>)
      %dma_wait3A_94 = arith.constant 0 : i32
      %dma_wait3A_95 = arith.constant 0 : i32
      %dma_wait3A_96 = tpu.memref_slice %arg8[%dma_wait3A_94, %dma_wait3A_95] : memref<100x128xf32, #tpu.memory_space<vmem>> -> memref<100x128xf32, #tpu.memory_space<vmem>>
      %dma_wait3A_97 = arith.constant 0 : i32
      %dma_wait3A_98 = tpu.memref_slice %arg10[%add3A_15, %dma_wait3A_97] : memref<10008x128xf32, #tpu.memory_space<vmem_shared>> -> memref<100x128xf32, #tpu.memory_space<vmem_shared>>
      %dma_wait3A_99 = arith.constant 0 : i32
      %dma_wait3A_100 = tpu.memref_slice %arg10[%add3A_15, %dma_wait3A_99] : memref<10008x128xf32, #tpu.memory_space<vmem_shared>> -> memref<100x128xf32, #tpu.memory_space<vmem_shared>>
      %dma_wait3A_101 = arith.constant 0 : i32
      %dma_wait3A_102 = arith.constant 0 : i32
      %dma_wait3A_103 = tpu.memref_slice %arg8[%dma_wait3A_101, %dma_wait3A_102] : memref<100x128xf32, #tpu.memory_space<vmem>> -> memref<100x128xf32, #tpu.memory_space<vmem>>
      tpu.wait_dma2 semaphore(%run_scoped3A : memref<!tpu.dma_semaphore, #tpu.memory_space<semaphore_mem>>) src(%dma_wait3A_103 : memref<100x128xf32, #tpu.memory_space<vmem>>) dst(%dma_wait3A_100 : memref<100x128xf32, #tpu.memory_space<vmem_shared>>)
      tpu.yield
    }) : () -> ()
    %add3A_16 = arith.constant 400 : i32
    %add3A_17 = arith.addi %mul3A_7, %add3A_16 : i32
    "tpu.region"() ({
      %run_scoped3A = tpu.sem_alloc : memref<!tpu.dma_semaphore, #tpu.memory_space<semaphore_mem>>
      %dma_start3A_84 = arith.constant 0 : i32
      %dma_start3A_85 = arith.constant 0 : i32
      %dma_start3A_86 = tpu.memref_slice %arg8[%dma_start3A_84, %dma_start3A_85] : memref<100x128xf32, #tpu.memory_space<vmem>> -> memref<100x128xf32, #tpu.memory_space<vmem>>
      %dma_start3A_87 = arith.constant 0 : i32
      %dma_start3A_88 = tpu.memref_slice %arg10[%add3A_17, %dma_start3A_87] : memref<10008x128xf32, #tpu.memory_space<vmem_shared>> -> memref<100x128xf32, #tpu.memory_space<vmem_shared>>
      %dma_start3A_89 = arith.constant 0 : i32
      %dma_start3A_90 = tpu.memref_slice %arg10[%add3A_17, %dma_start3A_89] : memref<10008x128xf32, #tpu.memory_space<vmem_shared>> -> memref<100x128xf32, #tpu.memory_space<vmem_shared>>
      %dma_start3A_91 = arith.constant 0 : i32
      %dma_start3A_92 = arith.constant 0 : i32
      %dma_start3A_93 = tpu.memref_slice %arg8[%dma_start3A_91, %dma_start3A_92] : memref<100x128xf32, #tpu.memory_space<vmem>> -> memref<100x128xf32, #tpu.memory_space<vmem>>
      tpu.enqueue_dma source(%dma_start3A_93 : memref<100x128xf32, #tpu.memory_space<vmem>>) target(%dma_start3A_90 : memref<100x128xf32, #tpu.memory_space<vmem_shared>>) target_semaphore(%run_scoped3A : memref<!tpu.dma_semaphore, #tpu.memory_space<semaphore_mem>>)
      %dma_wait3A_94 = arith.constant 0 : i32
      %dma_wait3A_95 = arith.constant 0 : i32
      %dma_wait3A_96 = tpu.memref_slice %arg8[%dma_wait3A_94, %dma_wait3A_95] : memref<100x128xf32, #tpu.memory_space<vmem>> -> memref<100x128xf32, #tpu.memory_space<vmem>>
      %dma_wait3A_97 = arith.constant 0 : i32
      %dma_wait3A_98 = tpu.memref_slice %arg10[%add3A_17, %dma_wait3A_97] : memref<10008x128xf32, #tpu.memory_space<vmem_shared>> -> memref<100x128xf32, #tpu.memory_space<vmem_shared>>
      %dma_wait3A_99 = arith.constant 0 : i32
      %dma_wait3A_100 = tpu.memref_slice %arg10[%add3A_17, %dma_wait3A_99] : memref<10008x128xf32, #tpu.memory_space<vmem_shared>> -> memref<100x128xf32, #tpu.memory_space<vmem_shared>>
      %dma_wait3A_101 = arith.constant 0 : i32
      %dma_wait3A_102 = arith.constant 0 : i32
      %dma_wait3A_103 = tpu.memref_slice %arg8[%dma_wait3A_101, %dma_wait3A_102] : memref<100x128xf32, #tpu.memory_space<vmem>> -> memref<100x128xf32, #tpu.memory_space<vmem>>
      tpu.wait_dma2 semaphore(%run_scoped3A : memref<!tpu.dma_semaphore, #tpu.memory_space<semaphore_mem>>) src(%dma_wait3A_103 : memref<100x128xf32, #tpu.memory_space<vmem>>) dst(%dma_wait3A_100 : memref<100x128xf32, #tpu.memory_space<vmem_shared>>)
      tpu.yield
    }) : () -> ()
    %add3A_18 = arith.constant 500 : i32
    %add3A_19 = arith.addi %mul3A_7, %add3A_18 : i32
    "tpu.region"() ({
      %run_scoped3A = tpu.sem_alloc : memref<!tpu.dma_semaphore, #tpu.memory_space<semaphore_mem>>
      %dma_start3A_84 = arith.constant 0 : i32
      %dma_start3A_85 = arith.constant 0 : i32
      %dma_start3A_86 = tpu.memref_slice %arg8[%dma_start3A_84, %dma_start3A_85] : memref<100x128xf32, #tpu.memory_space<vmem>> -> memref<100x128xf32, #tpu.memory_space<vmem>>
      %dma_start3A_87 = arith.constant 0 : i32
      %dma_start3A_88 = tpu.memref_slice %arg10[%add3A_19, %dma_start3A_87] : memref<10008x128xf32, #tpu.memory_space<vmem_shared>> -> memref<100x128xf32, #tpu.memory_space<vmem_shared>>
      %dma_start3A_89 = arith.constant 0 : i32
      %dma_start3A_90 = tpu.memref_slice %arg10[%add3A_19, %dma_start3A_89] : memref<10008x128xf32, #tpu.memory_space<vmem_shared>> -> memref<100x128xf32, #tpu.memory_space<vmem_shared>>
      %dma_start3A_91 = arith.constant 0 : i32
      %dma_start3A_92 = arith.constant 0 : i32
      %dma_start3A_93 = tpu.memref_slice %arg8[%dma_start3A_91, %dma_start3A_92] : memref<100x128xf32, #tpu.memory_space<vmem>> -> memref<100x128xf32, #tpu.memory_space<vmem>>
      tpu.enqueue_dma source(%dma_start3A_93 : memref<100x128xf32, #tpu.memory_space<vmem>>) target(%dma_start3A_90 : memref<100x128xf32, #tpu.memory_space<vmem_shared>>) target_semaphore(%run_scoped3A : memref<!tpu.dma_semaphore, #tpu.memory_space<semaphore_mem>>)
      %dma_wait3A_94 = arith.constant 0 : i32
      %dma_wait3A_95 = arith.constant 0 : i32
      %dma_wait3A_96 = tpu.memref_slice %arg8[%dma_wait3A_94, %dma_wait3A_95] : memref<100x128xf32, #tpu.memory_space<vmem>> -> memref<100x128xf32, #tpu.memory_space<vmem>>
      %dma_wait3A_97 = arith.constant 0 : i32
      %dma_wait3A_98 = tpu.memref_slice %arg10[%add3A_19, %dma_wait3A_97] : memref<10008x128xf32, #tpu.memory_space<vmem_shared>> -> memref<100x128xf32, #tpu.memory_space<vmem_shared>>
      %dma_wait3A_99 = arith.constant 0 : i32
      %dma_wait3A_100 = tpu.memref_slice %arg10[%add3A_19, %dma_wait3A_99] : memref<10008x128xf32, #tpu.memory_space<vmem_shared>> -> memref<100x128xf32, #tpu.memory_space<vmem_shared>>
      %dma_wait3A_101 = arith.constant 0 : i32
      %dma_wait3A_102 = arith.constant 0 : i32
      %dma_wait3A_103 = tpu.memref_slice %arg8[%dma_wait3A_101, %dma_wait3A_102] : memref<100x128xf32, #tpu.memory_space<vmem>> -> memref<100x128xf32, #tpu.memory_space<vmem>>
      tpu.wait_dma2 semaphore(%run_scoped3A : memref<!tpu.dma_semaphore, #tpu.memory_space<semaphore_mem>>) src(%dma_wait3A_103 : memref<100x128xf32, #tpu.memory_space<vmem>>) dst(%dma_wait3A_100 : memref<100x128xf32, #tpu.memory_space<vmem_shared>>)
      tpu.yield
    }) : () -> ()
    %add3A_20 = arith.constant 600 : i32
    %add3A_21 = arith.addi %mul3A_7, %add3A_20 : i32
    "tpu.region"() ({
      %run_scoped3A = tpu.sem_alloc : memref<!tpu.dma_semaphore, #tpu.memory_space<semaphore_mem>>
      %dma_start3A_84 = arith.constant 0 : i32
      %dma_start3A_85 = arith.constant 0 : i32
      %dma_start3A_86 = tpu.memref_slice %arg8[%dma_start3A_84, %dma_start3A_85] : memref<100x128xf32, #tpu.memory_space<vmem>> -> memref<25x128xf32, #tpu.memory_space<vmem>>
      %dma_start3A_87 = arith.constant 0 : i32
      %dma_start3A_88 = tpu.memref_slice %arg10[%add3A_21, %dma_start3A_87] : memref<10008x128xf32, #tpu.memory_space<vmem_shared>> -> memref<25x128xf32, #tpu.memory_space<vmem_shared>>
      %dma_start3A_89 = arith.constant 0 : i32
      %dma_start3A_90 = tpu.memref_slice %arg10[%add3A_21, %dma_start3A_89] : memref<10008x128xf32, #tpu.memory_space<vmem_shared>> -> memref<25x128xf32, #tpu.memory_space<vmem_shared>>
      %dma_start3A_91 = arith.constant 0 : i32
      %dma_start3A_92 = arith.constant 0 : i32
      %dma_start3A_93 = tpu.memref_slice %arg8[%dma_start3A_91, %dma_start3A_92] : memref<100x128xf32, #tpu.memory_space<vmem>> -> memref<25x128xf32, #tpu.memory_space<vmem>>
      tpu.enqueue_dma source(%dma_start3A_93 : memref<25x128xf32, #tpu.memory_space<vmem>>) target(%dma_start3A_90 : memref<25x128xf32, #tpu.memory_space<vmem_shared>>) target_semaphore(%run_scoped3A : memref<!tpu.dma_semaphore, #tpu.memory_space<semaphore_mem>>)
      %dma_wait3A_94 = arith.constant 0 : i32
      %dma_wait3A_95 = arith.constant 0 : i32
      %dma_wait3A_96 = tpu.memref_slice %arg8[%dma_wait3A_94, %dma_wait3A_95] : memref<100x128xf32, #tpu.memory_space<vmem>> -> memref<25x128xf32, #tpu.memory_space<vmem>>
      %dma_wait3A_97 = arith.constant 0 : i32
      %dma_wait3A_98 = tpu.memref_slice %arg10[%add3A_21, %dma_wait3A_97] : memref<10008x128xf32, #tpu.memory_space<vmem_shared>> -> memref<25x128xf32, #tpu.memory_space<vmem_shared>>
      %dma_wait3A_99 = arith.constant 0 : i32
      %dma_wait3A_100 = tpu.memref_slice %arg10[%add3A_21, %dma_wait3A_99] : memref<10008x128xf32, #tpu.memory_space<vmem_shared>> -> memref<25x128xf32, #tpu.memory_space<vmem_shared>>
      %dma_wait3A_101 = arith.constant 0 : i32
      %dma_wait3A_102 = arith.constant 0 : i32
      %dma_wait3A_103 = tpu.memref_slice %arg8[%dma_wait3A_101, %dma_wait3A_102] : memref<100x128xf32, #tpu.memory_space<vmem>> -> memref<25x128xf32, #tpu.memory_space<vmem>>
      tpu.wait_dma2 semaphore(%run_scoped3A : memref<!tpu.dma_semaphore, #tpu.memory_space<semaphore_mem>>) src(%dma_wait3A_103 : memref<25x128xf32, #tpu.memory_space<vmem>>) dst(%dma_wait3A_100 : memref<25x128xf32, #tpu.memory_space<vmem_shared>>)
      tpu.yield
    }) : () -> ()
    %barrier3A = arith.constant 0 : index
    tpu.barrier barrier_id(%barrier3A)
    %dma_start3A = arith.constant 0 : i32
    %dma_start3A_22 = arith.constant 0 : i32
    %dma_start3A_23 = tpu.memref_slice %arg6[%dma_start3A, %dma_start3A_22] : memref<100x100xi32, #tpu.memory_space<vmem>> -> memref<1x100xi32, #tpu.memory_space<vmem>>
    %dma_start3A_24 = tpu.memref_squeeze %dma_start3A_23 : memref<1x100xi32, #tpu.memory_space<vmem>> -> memref<100xi32, #tpu.memory_space<vmem>>
    %dma_start3A_25 = arith.constant 0 : i32
    %dma_start3A_26 = arith.constant 0 : i32
    %dma_start3A_27 = tpu.memref_slice %arg2[%dma_start3A_25, %dma_start3A_26] : memref<10000x128xf32, #tpu.memory_space<hbm>> -> memref<10000x128xf32, #tpu.memory_space<hbm>>
    tpu.enqueue_indirect_dma source(%dma_start3A_27 : memref<10000x128xf32, #tpu.memory_space<hbm>>) target(%arg8 : memref<100x128xf32, #tpu.memory_space<vmem>>) offsets(%dma_start3A_24 : memref<100xi32, #tpu.memory_space<vmem>>) semaphore(%arg11 : memref<!tpu.dma_semaphore, #tpu.memory_space<semaphore_mem>>)
    %dma_start3A_28 = arith.constant 1 : i32
    %dma_start3A_29 = arith.constant 0 : i32
    %dma_start3A_30 = tpu.memref_slice %arg6[%dma_start3A_28, %dma_start3A_29] : memref<100x100xi32, #tpu.memory_space<vmem>> -> memref<1x100xi32, #tpu.memory_space<vmem>>
    %dma_start3A_31 = tpu.memref_squeeze %dma_start3A_30 : memref<1x100xi32, #tpu.memory_space<vmem>> -> memref<100xi32, #tpu.memory_space<vmem>>
    %dma_start3A_32 = arith.constant 0 : i32
    %dma_start3A_33 = arith.constant 0 : i32
    %dma_start3A_34 = tpu.memref_slice %arg2[%dma_start3A_32, %dma_start3A_33] : memref<10000x128xf32, #tpu.memory_space<hbm>> -> memref<10000x128xf32, #tpu.memory_space<hbm>>
    tpu.enqueue_indirect_dma source(%dma_start3A_34 : memref<10000x128xf32, #tpu.memory_space<hbm>>) target(%arg9 : memref<100x128xf32, #tpu.memory_space<vmem>>) offsets(%dma_start3A_31 : memref<100xi32, #tpu.memory_space<vmem>>) semaphore(%arg12 : memref<!tpu.dma_semaphore, #tpu.memory_space<semaphore_mem>>)
    %dma_wait3A = arith.constant 0 : i32
    %dma_wait3A_35 = arith.constant 0 : i32
    %dma_wait3A_36 = tpu.memref_slice %arg6[%dma_wait3A, %dma_wait3A_35] : memref<100x100xi32, #tpu.memory_space<vmem>> -> memref<1x100xi32, #tpu.memory_space<vmem>>
    %dma_wait3A_37 = tpu.memref_squeeze %dma_wait3A_36 : memref<1x100xi32, #tpu.memory_space<vmem>> -> memref<100xi32, #tpu.memory_space<vmem>>
    %dma_wait3A_38 = arith.constant 0 : i32
    %dma_wait3A_39 = arith.constant 0 : i32
    %dma_wait3A_40 = tpu.memref_slice %arg2[%dma_wait3A_38, %dma_wait3A_39] : memref<10000x128xf32, #tpu.memory_space<hbm>> -> memref<10000x128xf32, #tpu.memory_space<hbm>>
    tpu.wait_indirect_dma semaphore(%arg11 : memref<!tpu.dma_semaphore, #tpu.memory_space<semaphore_mem>>) src(%dma_wait3A_40 : memref<10000x128xf32, #tpu.memory_space<hbm>>) dst(%arg8 : memref<100x128xf32, #tpu.memory_space<vmem>>)
    %dma_start3A_41 = arith.constant 0 : i32
    %dma_start3A_42 = arith.constant 0 : i32
    %dma_start3A_43 = tpu.memref_slice %arg7[%dma_start3A_41, %dma_start3A_42] : memref<100x100xi32, #tpu.memory_space<vmem>> -> memref<1x100xi32, #tpu.memory_space<vmem>>
    %dma_start3A_44 = tpu.memref_squeeze %dma_start3A_43 : memref<1x100xi32, #tpu.memory_space<vmem>> -> memref<100xi32, #tpu.memory_space<vmem>>
    %dma_start3A_45 = arith.constant 0 : i32
    %dma_start3A_46 = arith.constant 0 : i32
    %dma_start3A_47 = tpu.memref_slice %arg10[%dma_start3A_45, %dma_start3A_46] : memref<10008x128xf32, #tpu.memory_space<vmem_shared>> -> memref<10008x128xf32, #tpu.memory_space<vmem_shared>>
    tpu.enqueue_indirect_dma source(%arg8 : memref<100x128xf32, #tpu.memory_space<vmem>>) target(%dma_start3A_47 : memref<10008x128xf32, #tpu.memory_space<vmem_shared>>) offsets(%dma_start3A_44 : memref<100xi32, #tpu.memory_space<vmem>>) semaphore(%arg13 : memref<!tpu.dma_semaphore, #tpu.memory_space<semaphore_mem>>) {add = true}
    %dma_wait3A_48 = arith.constant 0 : i32
    %dma_wait3A_49 = arith.constant 0 : i32
    %dma_wait3A_50 = tpu.memref_slice %arg6[%dma_wait3A_48, %dma_wait3A_49] : memref<100x100xi32, #tpu.memory_space<vmem>> -> memref<1x100xi32, #tpu.memory_space<vmem>>
    %dma_wait3A_51 = tpu.memref_squeeze %dma_wait3A_50 : memref<1x100xi32, #tpu.memory_space<vmem>> -> memref<100xi32, #tpu.memory_space<vmem>>
    %dma_wait3A_52 = arith.constant 0 : i32
    %dma_wait3A_53 = arith.constant 0 : i32
    %dma_wait3A_54 = tpu.memref_slice %arg2[%dma_wait3A_52, %dma_wait3A_53] : memref<10000x128xf32, #tpu.memory_space<hbm>> -> memref<10000x128xf32, #tpu.memory_space<hbm>>
    tpu.wait_indirect_dma semaphore(%arg12 : memref<!tpu.dma_semaphore, #tpu.memory_space<semaphore_mem>>) src(%dma_wait3A_54 : memref<10000x128xf32, #tpu.memory_space<hbm>>) dst(%arg9 : memref<100x128xf32, #tpu.memory_space<vmem>>)
    %dma_start3A_55 = arith.constant 1 : i32
    %dma_start3A_56 = arith.constant 0 : i32
    %dma_start3A_57 = tpu.memref_slice %arg7[%dma_start3A_55, %dma_start3A_56] : memref<100x100xi32, #tpu.memory_space<vmem>> -> memref<1x100xi32, #tpu.memory_space<vmem>>
    %dma_start3A_58 = tpu.memref_squeeze %dma_start3A_57 : memref<1x100xi32, #tpu.memory_space<vmem>> -> memref<100xi32, #tpu.memory_space<vmem>>
    %dma_start3A_59 = arith.constant 0 : i32
    %dma_start3A_60 = arith.constant 0 : i32
    %dma_start3A_61 = tpu.memref_slice %arg10[%dma_start3A_59, %dma_start3A_60] : memref<10008x128xf32, #tpu.memory_space<vmem_shared>> -> memref<10008x128xf32, #tpu.memory_space<vmem_shared>>
    tpu.enqueue_indirect_dma source(%arg9 : memref<100x128xf32, #tpu.memory_space<vmem>>) target(%dma_start3A_61 : memref<10008x128xf32, #tpu.memory_space<vmem_shared>>) offsets(%dma_start3A_58 : memref<100xi32, #tpu.memory_space<vmem>>) semaphore(%arg14 : memref<!tpu.dma_semaphore, #tpu.memory_space<semaphore_mem>>) {add = true}
    %scan3A_62 = arith.constant 0 : i32
    %scan3A_63 = arith.constant 49 : i32
    %scan3A_64 = arith.addi %scan3A_62, %scan3A_63 : i32
    %scan3A_65 = arith.constant 1 : i32
    scf.for %scan3A_84 = %scan3A_62 to %scan3A_64 step %scan3A_65  : i32 {
      %mul3A_85 = arith.constant 1 : i32
      %mul3A_86 = arith.muli %scan3A_84, %mul3A_85 : i32
      %add3A_87 = arith.constant 1 : i32
      %add3A_88 = arith.addi %add3A_87, %mul3A_86 : i32
      %mul3A_89 = arith.constant 2 : i32
      %mul3A_90 = arith.muli %mul3A_89, %add3A_88 : i32
      %add3A_91 = arith.constant 0 : i32
      %add3A_92 = arith.addi %mul3A_90, %add3A_91 : i32
      %dma_wait3A_93 = arith.constant 0 : i32
      %dma_wait3A_94 = arith.constant 0 : i32
      %dma_wait3A_95 = tpu.memref_slice %arg7[%dma_wait3A_93, %dma_wait3A_94] : memref<100x100xi32, #tpu.memory_space<vmem>> -> memref<1x100xi32, #tpu.memory_space<vmem>>
      %dma_wait3A_96 = tpu.memref_squeeze %dma_wait3A_95 : memref<1x100xi32, #tpu.memory_space<vmem>> -> memref<100xi32, #tpu.memory_space<vmem>>
      %dma_wait3A_97 = arith.constant 0 : i32
      %dma_wait3A_98 = arith.constant 0 : i32
      %dma_wait3A_99 = tpu.memref_slice %arg10[%dma_wait3A_97, %dma_wait3A_98] : memref<10008x128xf32, #tpu.memory_space<vmem_shared>> -> memref<10008x128xf32, #tpu.memory_space<vmem_shared>>
      tpu.wait_indirect_dma semaphore(%arg13 : memref<!tpu.dma_semaphore, #tpu.memory_space<semaphore_mem>>) src(%arg8 : memref<100x128xf32, #tpu.memory_space<vmem>>) dst(%dma_wait3A_99 : memref<10008x128xf32, #tpu.memory_space<vmem_shared>>)
      %dma_start3A_100 = arith.constant 0 : i32
      %dma_start3A_101 = tpu.memref_slice %arg6[%add3A_92, %dma_start3A_100] : memref<100x100xi32, #tpu.memory_space<vmem>> -> memref<1x100xi32, #tpu.memory_space<vmem>>
      %dma_start3A_102 = tpu.memref_squeeze %dma_start3A_101 : memref<1x100xi32, #tpu.memory_space<vmem>> -> memref<100xi32, #tpu.memory_space<vmem>>
      %dma_start3A_103 = arith.constant 0 : i32
      %dma_start3A_104 = arith.constant 0 : i32
      %dma_start3A_105 = tpu.memref_slice %arg2[%dma_start3A_103, %dma_start3A_104] : memref<10000x128xf32, #tpu.memory_space<hbm>> -> memref<10000x128xf32, #tpu.memory_space<hbm>>
      tpu.enqueue_indirect_dma source(%dma_start3A_105 : memref<10000x128xf32, #tpu.memory_space<hbm>>) target(%arg8 : memref<100x128xf32, #tpu.memory_space<vmem>>) offsets(%dma_start3A_102 : memref<100xi32, #tpu.memory_space<vmem>>) semaphore(%arg11 : memref<!tpu.dma_semaphore, #tpu.memory_space<semaphore_mem>>)
      %mul3A_106 = arith.constant 2 : i32
      %mul3A_107 = arith.muli %mul3A_106, %add3A_88 : i32
      %add3A_108 = arith.constant 1 : i32
      %add3A_109 = arith.addi %mul3A_107, %add3A_108 : i32
      %dma_wait3A_110 = arith.constant 0 : i32
      %dma_wait3A_111 = arith.constant 0 : i32
      %dma_wait3A_112 = tpu.memref_slice %arg7[%dma_wait3A_110, %dma_wait3A_111] : memref<100x100xi32, #tpu.memory_space<vmem>> -> memref<1x100xi32, #tpu.memory_space<vmem>>
      %dma_wait3A_113 = tpu.memref_squeeze %dma_wait3A_112 : memref<1x100xi32, #tpu.memory_space<vmem>> -> memref<100xi32, #tpu.memory_space<vmem>>
      %dma_wait3A_114 = arith.constant 0 : i32
      %dma_wait3A_115 = arith.constant 0 : i32
      %dma_wait3A_116 = tpu.memref_slice %arg10[%dma_wait3A_114, %dma_wait3A_115] : memref<10008x128xf32, #tpu.memory_space<vmem_shared>> -> memref<10008x128xf32, #tpu.memory_space<vmem_shared>>
      tpu.wait_indirect_dma semaphore(%arg14 : memref<!tpu.dma_semaphore, #tpu.memory_space<semaphore_mem>>) src(%arg9 : memref<100x128xf32, #tpu.memory_space<vmem>>) dst(%dma_wait3A_116 : memref<10008x128xf32, #tpu.memory_space<vmem_shared>>)
      %dma_start3A_117 = arith.constant 0 : i32
      %dma_start3A_118 = tpu.memref_slice %arg6[%add3A_109, %dma_start3A_117] : memref<100x100xi32, #tpu.memory_space<vmem>> -> memref<1x100xi32, #tpu.memory_space<vmem>>
      %dma_start3A_119 = tpu.memref_squeeze %dma_start3A_118 : memref<1x100xi32, #tpu.memory_space<vmem>> -> memref<100xi32, #tpu.memory_space<vmem>>
      %dma_start3A_120 = arith.constant 0 : i32
      %dma_start3A_121 = arith.constant 0 : i32
      %dma_start3A_122 = tpu.memref_slice %arg2[%dma_start3A_120, %dma_start3A_121] : memref<10000x128xf32, #tpu.memory_space<hbm>> -> memref<10000x128xf32, #tpu.memory_space<hbm>>
      tpu.enqueue_indirect_dma source(%dma_start3A_122 : memref<10000x128xf32, #tpu.memory_space<hbm>>) target(%arg9 : memref<100x128xf32, #tpu.memory_space<vmem>>) offsets(%dma_start3A_119 : memref<100xi32, #tpu.memory_space<vmem>>) semaphore(%arg12 : memref<!tpu.dma_semaphore, #tpu.memory_space<semaphore_mem>>)
      %dma_wait3A_123 = arith.constant 0 : i32
      %dma_wait3A_124 = arith.constant 0 : i32
      %dma_wait3A_125 = tpu.memref_slice %arg6[%dma_wait3A_123, %dma_wait3A_124] : memref<100x100xi32, #tpu.memory_space<vmem>> -> memref<1x100xi32, #tpu.memory_space<vmem>>
      %dma_wait3A_126 = tpu.memref_squeeze %dma_wait3A_125 : memref<1x100xi32, #tpu.memory_space<vmem>> -> memref<100xi32, #tpu.memory_space<vmem>>
      %dma_wait3A_127 = arith.constant 0 : i32
      %dma_wait3A_128 = arith.constant 0 : i32
      %dma_wait3A_129 = tpu.memref_slice %arg2[%dma_wait3A_127, %dma_wait3A_128] : memref<10000x128xf32, #tpu.memory_space<hbm>> -> memref<10000x128xf32, #tpu.memory_space<hbm>>
      tpu.wait_indirect_dma semaphore(%arg11 : memref<!tpu.dma_semaphore, #tpu.memory_space<semaphore_mem>>) src(%dma_wait3A_129 : memref<10000x128xf32, #tpu.memory_space<hbm>>) dst(%arg8 : memref<100x128xf32, #tpu.memory_space<vmem>>)
      %mul3A_130 = arith.constant 2 : i32
      %mul3A_131 = arith.muli %mul3A_130, %add3A_88 : i32
      %add3A_132 = arith.constant 0 : i32
      %add3A_133 = arith.addi %mul3A_131, %add3A_132 : i32
      %dma_start3A_134 = arith.constant 0 : i32
      %dma_start3A_135 = tpu.memref_slice %arg7[%add3A_133, %dma_start3A_134] : memref<100x100xi32, #tpu.memory_space<vmem>> -> memref<1x100xi32, #tpu.memory_space<vmem>>
      %dma_start3A_136 = tpu.memref_squeeze %dma_start3A_135 : memref<1x100xi32, #tpu.memory_space<vmem>> -> memref<100xi32, #tpu.memory_space<vmem>>
      %dma_start3A_137 = arith.constant 0 : i32
      %dma_start3A_138 = arith.constant 0 : i32
      %dma_start3A_139 = tpu.memref_slice %arg10[%dma_start3A_137, %dma_start3A_138] : memref<10008x128xf32, #tpu.memory_space<vmem_shared>> -> memref<10008x128xf32, #tpu.memory_space<vmem_shared>>
      tpu.enqueue_indirect_dma source(%arg8 : memref<100x128xf32, #tpu.memory_space<vmem>>) target(%dma_start3A_139 : memref<10008x128xf32, #tpu.memory_space<vmem_shared>>) offsets(%dma_start3A_136 : memref<100xi32, #tpu.memory_space<vmem>>) semaphore(%arg13 : memref<!tpu.dma_semaphore, #tpu.memory_space<semaphore_mem>>) {add = true}
      %dma_wait3A_140 = arith.constant 0 : i32
      %dma_wait3A_141 = arith.constant 0 : i32
      %dma_wait3A_142 = tpu.memref_slice %arg6[%dma_wait3A_140, %dma_wait3A_141] : memref<100x100xi32, #tpu.memory_space<vmem>> -> memref<1x100xi32, #tpu.memory_space<vmem>>
      %dma_wait3A_143 = tpu.memref_squeeze %dma_wait3A_142 : memref<1x100xi32, #tpu.memory_space<vmem>> -> memref<100xi32, #tpu.memory_space<vmem>>
      %dma_wait3A_144 = arith.constant 0 : i32
      %dma_wait3A_145 = arith.constant 0 : i32
      %dma_wait3A_146 = tpu.memref_slice %arg2[%dma_wait3A_144, %dma_wait3A_145] : memref<10000x128xf32, #tpu.memory_space<hbm>> -> memref<10000x128xf32, #tpu.memory_space<hbm>>
      tpu.wait_indirect_dma semaphore(%arg12 : memref<!tpu.dma_semaphore, #tpu.memory_space<semaphore_mem>>) src(%dma_wait3A_146 : memref<10000x128xf32, #tpu.memory_space<hbm>>) dst(%arg9 : memref<100x128xf32, #tpu.memory_space<vmem>>)
      %mul3A_147 = arith.constant 2 : i32
      %mul3A_148 = arith.muli %mul3A_147, %add3A_88 : i32
      %add3A_149 = arith.constant 1 : i32
      %add3A_150 = arith.addi %mul3A_148, %add3A_149 : i32
      %dma_start3A_151 = arith.constant 0 : i32
      %dma_start3A_152 = tpu.memref_slice %arg7[%add3A_150, %dma_start3A_151] : memref<100x100xi32, #tpu.memory_space<vmem>> -> memref<1x100xi32, #tpu.memory_space<vmem>>
      %dma_start3A_153 = tpu.memref_squeeze %dma_start3A_152 : memref<1x100xi32, #tpu.memory_space<vmem>> -> memref<100xi32, #tpu.memory_space<vmem>>
      %dma_start3A_154 = arith.constant 0 : i32
      %dma_start3A_155 = arith.constant 0 : i32
      %dma_start3A_156 = tpu.memref_slice %arg10[%dma_start3A_154, %dma_start3A_155] : memref<10008x128xf32, #tpu.memory_space<vmem_shared>> -> memref<10008x128xf32, #tpu.memory_space<vmem_shared>>
      tpu.enqueue_indirect_dma source(%arg9 : memref<100x128xf32, #tpu.memory_space<vmem>>) target(%dma_start3A_156 : memref<10008x128xf32, #tpu.memory_space<vmem_shared>>) offsets(%dma_start3A_153 : memref<100xi32, #tpu.memory_space<vmem>>) semaphore(%arg14 : memref<!tpu.dma_semaphore, #tpu.memory_space<semaphore_mem>>) {add = true}
    }
    %scan3A_66 = arith.constant 49 : i32
    %dma_wait3A_67 = arith.constant 0 : i32
    %dma_wait3A_68 = arith.constant 0 : i32
    %dma_wait3A_69 = tpu.memref_slice %arg7[%dma_wait3A_67, %dma_wait3A_68] : memref<100x100xi32, #tpu.memory_space<vmem>> -> memref<1x100xi32, #tpu.memory_space<vmem>>
    %dma_wait3A_70 = tpu.memref_squeeze %dma_wait3A_69 : memref<1x100xi32, #tpu.memory_space<vmem>> -> memref<100xi32, #tpu.memory_space<vmem>>
    %dma_wait3A_71 = arith.constant 0 : i32
    %dma_wait3A_72 = arith.constant 0 : i32
    %dma_wait3A_73 = tpu.memref_slice %arg10[%dma_wait3A_71, %dma_wait3A_72] : memref<10008x128xf32, #tpu.memory_space<vmem_shared>> -> memref<10008x128xf32, #tpu.memory_space<vmem_shared>>
    tpu.wait_indirect_dma semaphore(%arg13 : memref<!tpu.dma_semaphore, #tpu.memory_space<semaphore_mem>>) src(%arg8 : memref<100x128xf32, #tpu.memory_space<vmem>>) dst(%dma_wait3A_73 : memref<10008x128xf32, #tpu.memory_space<vmem_shared>>)
    %dma_wait3A_74 = arith.constant 0 : i32
    %dma_wait3A_75 = arith.constant 0 : i32
    %dma_wait3A_76 = tpu.memref_slice %arg7[%dma_wait3A_74, %dma_wait3A_75] : memref<100x100xi32, #tpu.memory_space<vmem>> -> memref<1x100xi32, #tpu.memory_space<vmem>>
    %dma_wait3A_77 = tpu.memref_squeeze %dma_wait3A_76 : memref<1x100xi32, #tpu.memory_space<vmem>> -> memref<100xi32, #tpu.memory_space<vmem>>
    %dma_wait3A_78 = arith.constant 0 : i32
    %dma_wait3A_79 = arith.constant 0 : i32
    %dma_wait3A_80 = tpu.memref_slice %arg10[%dma_wait3A_78, %dma_wait3A_79] : memref<10008x128xf32, #tpu.memory_space<vmem_shared>> -> memref<10008x128xf32, #tpu.memory_space<vmem_shared>>
    tpu.wait_indirect_dma semaphore(%arg14 : memref<!tpu.dma_semaphore, #tpu.memory_space<semaphore_mem>>) src(%arg9 : memref<100x128xf32, #tpu.memory_space<vmem>>) dst(%dma_wait3A_80 : memref<10008x128xf32, #tpu.memory_space<vmem_shared>>)
    %barrier3A_81 = arith.constant 0 : index
    tpu.barrier barrier_id(%barrier3A_81)
    %mul3A_82 = arith.constant 625 : i32
    %mul3A_83 = arith.muli %arg1, %mul3A_82 : i32
    "tpu.region"() ({
      %run_scoped3A = tpu.sem_alloc : memref<!tpu.dma_semaphore, #tpu.memory_space<semaphore_mem>>
      %dma_start3A_84 = arith.constant 0 : i32
      %dma_start3A_85 = tpu.memref_slice %arg5[%arg0, %mul3A_83, %dma_start3A_84] : memref<2x10008x128xf32, #tpu.memory_space<hbm>> -> memref<1x625x128xf32, #tpu.memory_space<hbm>>
      %dma_start3A_86 = tpu.memref_squeeze %dma_start3A_85 : memref<1x625x128xf32, #tpu.memory_space<hbm>> -> memref<625x128xf32, #tpu.memory_space<hbm>>
      %dma_start3A_87 = arith.constant 0 : i32
      %dma_start3A_88 = tpu.memref_slice %arg10[%mul3A_83, %dma_start3A_87] : memref<10008x128xf32, #tpu.memory_space<vmem_shared>> -> memref<625x128xf32, #tpu.memory_space<vmem_shared>>
      tpu.enqueue_dma source(%dma_start3A_88 : memref<625x128xf32, #tpu.memory_space<vmem_shared>>) target(%dma_start3A_86 : memref<625x128xf32, #tpu.memory_space<hbm>>) target_semaphore(%run_scoped3A : memref<!tpu.dma_semaphore, #tpu.memory_space<semaphore_mem>>)
      %dma_wait3A_89 = arith.constant 0 : i32
      %dma_wait3A_90 = tpu.memref_slice %arg5[%arg0, %mul3A_83, %dma_wait3A_89] : memref<2x10008x128xf32, #tpu.memory_space<hbm>> -> memref<1x625x128xf32, #tpu.memory_space<hbm>>
      %dma_wait3A_91 = tpu.memref_squeeze %dma_wait3A_90 : memref<1x625x128xf32, #tpu.memory_space<hbm>> -> memref<625x128xf32, #tpu.memory_space<hbm>>
      %dma_wait3A_92 = arith.constant 0 : i32
      %dma_wait3A_93 = tpu.memref_slice %arg10[%mul3A_83, %dma_wait3A_92] : memref<10008x128xf32, #tpu.memory_space<vmem_shared>> -> memref<625x128xf32, #tpu.memory_space<vmem_shared>>
      tpu.wait_dma2 semaphore(%run_scoped3A : memref<!tpu.dma_semaphore, #tpu.memory_space<semaphore_mem>>) src(%dma_wait3A_93 : memref<625x128xf32, #tpu.memory_space<vmem_shared>>) dst(%dma_wait3A_91 : memref<625x128xf32, #tpu.memory_space<hbm>>)
      tpu.yield
    }) : () -> ()
    return
  }
}

module attributes {stable_mosaic.version = 14 : i64} {
  func.func @_prep_body(%arg0: i32, %arg1: memref<1000x128xf32, #tpu.memory_space<vmem>>, %arg2: memref<128x128xf32, #tpu.memory_space<vmem>>, %arg3: memref<1000x16xf32, #tpu.memory_space<vmem>>, %arg4: memref<1000x16xf32, #tpu.memory_space<vmem>>, %arg5: memref<1000x128xf32, #tpu.memory_space<vmem>>, %arg6: memref<1000x128xf32, #tpu.memory_space<vmem>>) attributes {dimension_semantics = [#tpu.dimension_semantics<arbitrary>], iteration_bounds = array<i64: 10>, scalar_prefetch = 0 : i64, scratch_operands = 0 : i64, tpu.core_type = #tpu.core_type<tc>, window_params = [{transform_indices = @transform_0, window_bounds = array<i64: 1000, 128>}, {pipeline_mode = #tpu.pipeline_mode<synchronous>, transform_indices = @transform_1, window_bounds = array<i64: 128, 128>}, {transform_indices = @transform_2, window_bounds = array<i64: 1000, 16>}, {transform_indices = @transform_3, window_bounds = array<i64: 1000, 16>}, {transform_indices = @transform_4, window_bounds = array<i64: 1000, 128>}, {transform_indices = @transform_5, window_bounds = array<i64: 1000, 128>}]} {
    %get3A = arith.constant 0 : index
    %get3A_0 = arith.constant 0 : index
    %get3A_1 = vector.load %arg3[%get3A, %get3A_0] : memref<1000x16xf32, #tpu.memory_space<vmem>>, vector<1000x1xf32>
    %get3A_2 = arith.constant 0 : index
    %get3A_3 = arith.constant 0 : index
    %get3A_4 = vector.load %arg4[%get3A_2, %get3A_3] : memref<1000x16xf32, #tpu.memory_space<vmem>>, vector<1000x1xf32>
    %add3A = arith.addf %get3A_1, %get3A_4 : vector<1000x1xf32>
    %add3A_5 = arith.constant 1.000000e+00 : f32
    %add3A_6 = vector.broadcast %add3A_5 : f32 to vector<1000x1xf32>
    %add3A_7 = arith.addf %add3A, %add3A_6 : vector<1000x1xf32>
    %rsqrt3A = math.rsqrt %add3A_7 : vector<1000x1xf32>
    %broadcast_in_dim3A = vector.shape_cast %rsqrt3A : vector<1000x1xf32> to vector<1000x1xf32>
    %broadcast_in_dim3A_8 = vector.broadcast %broadcast_in_dim3A : vector<1000x1xf32> to vector<1000x128xf32>
    %get3A_9 = arith.constant 0 : index
    %get3A_10 = arith.constant 0 : index
    %get3A_11 = vector.load %arg1[%get3A_9, %get3A_10] : memref<1000x128xf32, #tpu.memory_space<vmem>>, vector<1000x128xf32>
    %get3A_12 = arith.constant 0 : index
    %get3A_13 = arith.constant 0 : index
    %get3A_14 = vector.load %arg2[%get3A_12, %get3A_13] : memref<128x128xf32, #tpu.memory_space<vmem>>, vector<128x128xf32>
    %dot_general3A = arith.constant dense<0.000000e+00> : vector<1000x128xf32>
    %dot_general3A_15 = tpu.matmul %get3A_11, %get3A_14, %dot_general3A {dimension_numbers = #tpu.dot_dimension_numbers<[1], [0], [0], [1], [0, 0, 1, 1], [], []>, transpose_lhs_hint = false} : vector<1000x128xf32>, vector<128x128xf32>, vector<1000x128xf32> -> vector<1000x128xf32>
    %mul3A = arith.mulf %dot_general3A_15, %broadcast_in_dim3A_8 : vector<1000x128xf32>
    %swap3A = arith.constant 0 : index
    %swap3A_16 = arith.constant 0 : index
    %swap3A_17 = vector.load %arg5[%swap3A, %swap3A_16] : memref<1000x128xf32, #tpu.memory_space<vmem>>, vector<1000x128xf32>
    tpu.vector_store %arg5[%swap3A, %swap3A_16], %mul3A {strides = array<i32>} : memref<1000x128xf32, #tpu.memory_space<vmem>>, vector<1000x128xf32>,
    %swap3A_18 = arith.constant 0 : index
    %swap3A_19 = arith.constant 0 : index
    %swap3A_20 = vector.load %arg6[%swap3A_18, %swap3A_19] : memref<1000x128xf32, #tpu.memory_space<vmem>>, vector<1000x128xf32>
    tpu.vector_store %arg6[%swap3A_18, %swap3A_19], %broadcast_in_dim3A_8 {strides = array<i32>} : memref<1000x128xf32, #tpu.memory_space<vmem>>, vector<1000x128xf32>,
    return
  }
  func.func @transform_0(%arg0: i32) -> (i32, i32) {
    %c0_i32 = arith.constant 0 : i32
    %c0_i32_0 = arith.constant 0 : i32
    return %arg0, %c0_i32 : i32, i32
  }
  func.func @transform_1(%arg0: i32) -> (i32, i32) {
    %c0_i32 = arith.constant 0 : i32
    %c0_i32_0 = arith.constant 0 : i32
    %c0_i32_1 = arith.constant 0 : i32
    return %c0_i32, %c0_i32_0 : i32, i32
  }
  func.func @transform_2(%arg0: i32) -> (i32, i32) {
    %c0_i32 = arith.constant 0 : i32
    %c0_i32_0 = arith.constant 0 : i32
    return %arg0, %c0_i32 : i32, i32
  }
  func.func @transform_3(%arg0: i32) -> (i32, i32) {
    %c0_i32 = arith.constant 0 : i32
    %c0_i32_0 = arith.constant 0 : i32
    return %arg0, %c0_i32 : i32, i32
  }
  func.func @transform_4(%arg0: i32) -> (i32, i32) {
    %c0_i32 = arith.constant 0 : i32
    %c0_i32_0 = arith.constant 0 : i32
    return %arg0, %c0_i32 : i32, i32
  }
  func.func @transform_5(%arg0: i32) -> (i32, i32) {
    %c0_i32 = arith.constant 0 : i32
    %c0_i32_0 = arith.constant 0 : i32
    return %arg0, %c0_i32 : i32, i32
  }
}

module attributes {stable_mosaic.version = 14 : i64} {
  func.func @_mid_body(%arg0: i32, %arg1: memref<1000x128xf32, #tpu.memory_space<vmem>>, %arg2: memref<1000x128xf32, #tpu.memory_space<vmem>>, %arg3: memref<1000x128xf32, #tpu.memory_space<vmem>>, %arg4: memref<1000x128xf32, #tpu.memory_space<vmem>>, %arg5: memref<128x128xf32, #tpu.memory_space<vmem>>, %arg6: memref<1x128xf32, #tpu.memory_space<vmem>>, %arg7: memref<1000x128xf32, #tpu.memory_space<vmem>>) attributes {dimension_semantics = [#tpu.dimension_semantics<arbitrary>], iteration_bounds = array<i64: 10>, scalar_prefetch = 0 : i64, scratch_operands = 0 : i64, tpu.core_type = #tpu.core_type<tc>, window_params = [{transform_indices = @transform_0, window_bounds = array<i64: 1000, 128>}, {transform_indices = @transform_1, window_bounds = array<i64: 1000, 128>}, {transform_indices = @transform_2, window_bounds = array<i64: 1000, 128>}, {transform_indices = @transform_3, window_bounds = array<i64: 1000, 128>}, {pipeline_mode = #tpu.pipeline_mode<synchronous>, transform_indices = @transform_4, window_bounds = array<i64: 128, 128>}, {pipeline_mode = #tpu.pipeline_mode<synchronous>, transform_indices = @transform_5, window_bounds = array<i64: 1, 128>}, {transform_indices = @transform_6, window_bounds = array<i64: 1000, 128>}]} {
    %get3A = arith.constant 0 : index
    %get3A_0 = arith.constant 0 : index
    %get3A_1 = vector.load %arg4[%get3A, %get3A_0] : memref<1000x128xf32, #tpu.memory_space<vmem>>, vector<1000x128xf32>
    %get3A_2 = arith.constant 0 : index
    %get3A_3 = arith.constant 0 : index
    %get3A_4 = vector.load %arg1[%get3A_2, %get3A_3] : memref<1000x128xf32, #tpu.memory_space<vmem>>, vector<1000x128xf32>
    %get3A_5 = arith.constant 0 : index
    %get3A_6 = arith.constant 0 : index
    %get3A_7 = vector.load %arg2[%get3A_5, %get3A_6] : memref<1000x128xf32, #tpu.memory_space<vmem>>, vector<1000x128xf32>
    %add3A = arith.addf %get3A_4, %get3A_7 : vector<1000x128xf32>
    %get3A_8 = arith.constant 0 : index
    %get3A_9 = arith.constant 0 : index
    %get3A_10 = vector.load %arg3[%get3A_8, %get3A_9] : memref<1000x128xf32, #tpu.memory_space<vmem>>, vector<1000x128xf32>
    %add3A_11 = arith.addf %add3A, %get3A_10 : vector<1000x128xf32>
    %mul3A = arith.mulf %get3A_1, %add3A_11 : vector<1000x128xf32>
    %get3A_12 = arith.constant 0 : index
    %get3A_13 = arith.constant 0 : index
    %get3A_14 = vector.load %arg6[%get3A_12, %get3A_13] : memref<1x128xf32, #tpu.memory_space<vmem>>, vector<1x128xf32>
    %add3A_15 = vector.broadcast %get3A_14 : vector<1x128xf32> to vector<1000x128xf32>
    %add3A_16 = arith.addf %mul3A, %add3A_15 : vector<1000x128xf32>
    %max3A = arith.constant 0.000000e+00 : f32
    %max3A_17 = vector.broadcast %max3A : f32 to vector<1000x128xf32>
    %max3A_18 = arith.maximumf %add3A_16, %max3A_17 : vector<1000x128xf32>
    %get3A_19 = arith.constant 0 : index
    %get3A_20 = arith.constant 0 : index
    %get3A_21 = vector.load %arg5[%get3A_19, %get3A_20] : memref<128x128xf32, #tpu.memory_space<vmem>>, vector<128x128xf32>
    %dot_general3A = arith.constant dense<0.000000e+00> : vector<1000x128xf32>
    %dot_general3A_22 = tpu.matmul %max3A_18, %get3A_21, %dot_general3A {dimension_numbers = #tpu.dot_dimension_numbers<[1], [0], [0], [1], [0, 0, 1, 1], [], []>, transpose_lhs_hint = false} : vector<1000x128xf32>, vector<128x128xf32>, vector<1000x128xf32> -> vector<1000x128xf32>
    %mul3A_23 = arith.mulf %dot_general3A_22, %get3A_1 : vector<1000x128xf32>
    %swap3A = arith.constant 0 : index
    %swap3A_24 = arith.constant 0 : index
    %swap3A_25 = vector.load %arg7[%swap3A, %swap3A_24] : memref<1000x128xf32, #tpu.memory_space<vmem>>, vector<1000x128xf32>
    tpu.vector_store %arg7[%swap3A, %swap3A_24], %mul3A_23 {strides = array<i32>} : memref<1000x128xf32, #tpu.memory_space<vmem>>, vector<1000x128xf32>,
    return
  }
  func.func @transform_0(%arg0: i32) -> (i32, i32) {
    %c0_i32 = arith.constant 0 : i32
    %c0_i32_0 = arith.constant 0 : i32
    return %arg0, %c0_i32 : i32, i32
  }
  func.func @transform_1(%arg0: i32) -> (i32, i32) {
    %c0_i32 = arith.constant 0 : i32
    %c0_i32_0 = arith.constant 0 : i32
    return %arg0, %c0_i32 : i32, i32
  }
  func.func @transform_2(%arg0: i32) -> (i32, i32) {
    %c0_i32 = arith.constant 0 : i32
    %c0_i32_0 = arith.constant 0 : i32
    return %arg0, %c0_i32 : i32, i32
  }
  func.func @transform_3(%arg0: i32) -> (i32, i32) {
    %c0_i32 = arith.constant 0 : i32
    %c0_i32_0 = arith.constant 0 : i32
    return %arg0, %c0_i32 : i32, i32
  }
  func.func @transform_4(%arg0: i32) -> (i32, i32) {
    %c0_i32 = arith.constant 0 : i32
    %c0_i32_0 = arith.constant 0 : i32
    %c0_i32_1 = arith.constant 0 : i32
    return %c0_i32, %c0_i32_0 : i32, i32
  }
  func.func @transform_5(%arg0: i32) -> (i32, i32) {
    %c0_i32 = arith.constant 0 : i32
    %c0_i32_0 = arith.constant 0 : i32
    %c0_i32_1 = arith.constant 0 : i32
    return %c0_i32, %c0_i32_0 : i32, i32
  }
  func.func @transform_6(%arg0: i32) -> (i32, i32) {
    %c0_i32 = arith.constant 0 : i32
    %c0_i32_0 = arith.constant 0 : i32
    return %arg0, %c0_i32 : i32, i32
  }
}

module attributes {stable_mosaic.version = 14 : i64} {
  func.func @_final_body(%arg0: i32, %arg1: memref<1000x128xf32, #tpu.memory_space<vmem>>, %arg2: memref<1000x128xf32, #tpu.memory_space<vmem>>, %arg3: memref<1000x128xf32, #tpu.memory_space<vmem>>, %arg4: memref<1000x128xf32, #tpu.memory_space<vmem>>, %arg5: memref<1x128xf32, #tpu.memory_space<vmem>>, %arg6: memref<1000x128xf32, #tpu.memory_space<vmem>>) attributes {dimension_semantics = [#tpu.dimension_semantics<arbitrary>], iteration_bounds = array<i64: 10>, scalar_prefetch = 0 : i64, scratch_operands = 0 : i64, tpu.core_type = #tpu.core_type<tc>, window_params = [{transform_indices = @transform_0, window_bounds = array<i64: 1000, 128>}, {transform_indices = @transform_1, window_bounds = array<i64: 1000, 128>}, {transform_indices = @transform_2, window_bounds = array<i64: 1000, 128>}, {transform_indices = @transform_3, window_bounds = array<i64: 1000, 128>}, {pipeline_mode = #tpu.pipeline_mode<synchronous>, transform_indices = @transform_4, window_bounds = array<i64: 1, 128>}, {transform_indices = @transform_5, window_bounds = array<i64: 1000, 128>}]} {
    %get3A = arith.constant 0 : index
    %get3A_0 = arith.constant 0 : index
    %get3A_1 = vector.load %arg4[%get3A, %get3A_0] : memref<1000x128xf32, #tpu.memory_space<vmem>>, vector<1000x128xf32>
    %get3A_2 = arith.constant 0 : index
    %get3A_3 = arith.constant 0 : index
    %get3A_4 = vector.load %arg1[%get3A_2, %get3A_3] : memref<1000x128xf32, #tpu.memory_space<vmem>>, vector<1000x128xf32>
    %get3A_5 = arith.constant 0 : index
    %get3A_6 = arith.constant 0 : index
    %get3A_7 = vector.load %arg2[%get3A_5, %get3A_6] : memref<1000x128xf32, #tpu.memory_space<vmem>>, vector<1000x128xf32>
    %add3A = arith.addf %get3A_4, %get3A_7 : vector<1000x128xf32>
    %get3A_8 = arith.constant 0 : index
    %get3A_9 = arith.constant 0 : index
    %get3A_10 = vector.load %arg3[%get3A_8, %get3A_9] : memref<1000x128xf32, #tpu.memory_space<vmem>>, vector<1000x128xf32>
    %add3A_11 = arith.addf %add3A, %get3A_10 : vector<1000x128xf32>
    %mul3A = arith.mulf %get3A_1, %add3A_11 : vector<1000x128xf32>
    %get3A_12 = arith.constant 0 : index
    %get3A_13 = arith.constant 0 : index
    %get3A_14 = vector.load %arg5[%get3A_12, %get3A_13] : memref<1x128xf32, #tpu.memory_space<vmem>>, vector<1x128xf32>
    %add3A_15 = vector.broadcast %get3A_14 : vector<1x128xf32> to vector<1000x128xf32>
    %add3A_16 = arith.addf %mul3A, %add3A_15 : vector<1000x128xf32>
    %reduce_max3A = arith.constant dense<0xFF800000> : vector<1000xf32>
    %reduce_max3A_17 = vector.multi_reduction <maximumf>, %add3A_16, %reduce_max3A [1] : vector<1000x128xf32> to vector<1000xf32>
    %broadcast_in_dim3A = vector.shape_cast %reduce_max3A_17 : vector<1000xf32> to vector<1000x1xf32>
    %sub3A = vector.broadcast %broadcast_in_dim3A : vector<1000x1xf32> to vector<1000x128xf32>
    %sub3A_18 = arith.subf %add3A_16, %sub3A : vector<1000x128xf32>
    %exp3A = math.exp %sub3A_18 : vector<1000x128xf32>
    %reduce_sum3A = arith.constant dense<0.000000e+00> : vector<1000xf32>
    %reduce_sum3A_19 = vector.multi_reduction <add>, %exp3A, %reduce_sum3A [1] : vector<1000x128xf32> to vector<1000xf32>
    %broadcast_in_dim3A_20 = vector.shape_cast %reduce_sum3A_19 : vector<1000xf32> to vector<1000x1xf32>
    %log3A = math.log %broadcast_in_dim3A_20 : vector<1000x1xf32>
    %sub3A_21 = vector.broadcast %log3A : vector<1000x1xf32> to vector<1000x128xf32>
    %sub3A_22 = arith.subf %sub3A_18, %sub3A_21 : vector<1000x128xf32>
    %swap3A = arith.constant 0 : index
    %swap3A_23 = arith.constant 0 : index
    %swap3A_24 = vector.load %arg6[%swap3A, %swap3A_23] : memref<1000x128xf32, #tpu.memory_space<vmem>>, vector<1000x128xf32>
    tpu.vector_store %arg6[%swap3A, %swap3A_23], %sub3A_22 {strides = array<i32>} : memref<1000x128xf32, #tpu.memory_space<vmem>>, vector<1000x128xf32>,
    return
  }
  func.func @transform_0(%arg0: i32) -> (i32, i32) {
    %c0_i32 = arith.constant 0 : i32
    %c0_i32_0 = arith.constant 0 : i32
    return %arg0, %c0_i32 : i32, i32
  }
  func.func @transform_1(%arg0: i32) -> (i32, i32) {
    %c0_i32 = arith.constant 0 : i32
    %c0_i32_0 = arith.constant 0 : i32
    return %arg0, %c0_i32 : i32, i32
  }
  func.func @transform_2(%arg0: i32) -> (i32, i32) {
    %c0_i32 = arith.constant 0 : i32
    %c0_i32_0 = arith.constant 0 : i32
    return %arg0, %c0_i32 : i32, i32
  }
  func.func @transform_3(%arg0: i32) -> (i32, i32) {
    %c0_i32 = arith.constant 0 : i32
    %c0_i32_0 = arith.constant 0 : i32
    return %arg0, %c0_i32 : i32, i32
  }
  func.func @transform_4(%arg0: i32) -> (i32, i32) {
    %c0_i32 = arith.constant 0 : i32
    %c0_i32_0 = arith.constant 0 : i32
    %c0_i32_1 = arith.constant 0 : i32
    return %c0_i32, %c0_i32_0 : i32, i32
  }
  func.func @transform_5(%arg0: i32) -> (i32, i32) {
    %c0_i32 = arith.constant 0 : i32
    %c0_i32_0 = arith.constant 0 : i32
    return %arg0, %c0_i32 : i32, i32
  }
}

</mosaic_0001>

<sc_bundles>
// kernel: kernel.11.cloned.1.call-start
scs
__scs_entry_jumppad:
0x0: {  	(pc) =	sbr.rel $0x88, $3  }
0x1: {  	(tag) =	ssettag $0x0;
	lr =	simm.s32 $0x1  }
0x2: {  	[smem:$0x3F9B] =	sst lr;
	_ =	strace $0xD0000000  }
0x3: {  	_ = 	snop  }
0x4: {  	_ = 	snop  }
0x5: {  	_ = 	snop  }
0x6: {  	_ = 	snop  }
0x7: {  	_ = 	snop  }
__scs_overlays_trampoline_lowered:
0x8: {  	[smem:$0x3FAA] =	sst s0  }
0x9: {  	[smem:$0x3FAB] =	sst s1  }
0xa: {  	[smem:$0x3FAC] =	sst s2  }
0xb: {  	[smem:$0x3FAD] =	sst s3  }
0xc: {  	[smem:$0x3FAE] =	sst s4  }
0xd: {  	[smem:$0x3FAF] =	sst s5  }
0xe: {  	[smem:$0x3FB0] =	sst s6  }
0xf: {  	[smem:$0x3FB1] =	sst s7  }
0x10: {  	[smem:$0x3FB2] =	sst s8  }
0x11: {  	[smem:$0x3FB3] =	sst s9;
	s0 =	simm.s32 @!p0 $0x0  }
0x12: {  	s1 =	sld [smem:$0x3F99];
	s0 =	simm.s32 @p0 $0x1  }
0x13: {  	[smem:$0x3FB4] =	sst s0;
	s0 =	simm.s32 @!p1 $0x0  }
0x14: {  	s2 =	sld [smem:$0x3F98];
	s0 =	simm.s32 @p1 $0x1  }
0x15: {  	[smem:$0x3FB5] =	sst s0;
	s0 =	simm.s32 @!p2 $0x0  }
0x16: {  	s3 =	sld [smem:$0x3FDB];
	s0 =	simm.s32 @p2 $0x1  }
0x17: {  	s4 =	simm.s32 $0x1BF5;
	[smem:$0x3FB7] =	sst s0  }
0x18: {  	s0 =	sld [smem:$0x3F9A];
	_ =	swait.ge [sflag:s4], $0x0  }
0x19: {  	s7 =	sld [smem:$0x3F9B]  }
0x1a: {  	s8 =	sadd.s32 $0xFFFFE003, lr  }
0x1b: {  	s9 =	sadd.s32 $0xFFFFFEF7, lr;
	s5 =	simm.s32 $0xFFFFFFFF;
	p2 =	slt.u32 s8, $0xFFFFF086  }
0x1c: {  	p1 =	slt.u32 s9, $0xF7A;
	s5 =	simm.s32 @!p2 $0x0  }
0x1d: {  	s5 =	simm.s32 @p1 $0x1;
	p0 =	seq.s32 s7, s2  }
0x1e: {  	s7 =	smul.u32 @!p0 $0xF7A, s2;
	p2 =	seq.s32 @!p0 s5, $0x0  }
0x1f: {  	s9 =	smul.u32 $0xF7A, s1;
	s8 =	simm.s32 @!p0 $0x1BF5;
	p2 =	por !p2, p0  }
0x20: {  	[sflag:s8] =	ssyncset.s32 @!p0 $0xFFFFF086;
	s6 =	sadd.s32 @!p0 s3, s7;
	s7 =	simm.s32 @!p0 $0x108  }
0x21: {  	s3 =	sadd.s32 s3, s9;
	s6 =	sadd.s32 @!p0 $0x88, s6;
	s7 =	simm.s32 @p2 $0x1082  }
0x22: {  	[simem:s7], [sflag:s8] =	dma.local @!p0 [hbm:s6], $0xF7A  }
0x23: {  	s9 =	sor.u32 $0xD0000000, s2;
	s6 =	simm.s32 $0x108;
	_ =	swait.ge @!p0 [sflag:s8], $0x0  }
0x24: {  	s3 =	sadd.s32 $0x88, s3;
	s6 =	simm.s32 @!p1 $0x1082;
	[sflag:s4] =	ssyncset.s32 $0xFFFFF086  }
0x25: {  	[simem:s6], [sflag:s4] =	dma.local [hbm:s3], $0xF7A  }
0x26: {  	[smem:$0x3F9B] =	sst s1;
	(tag) =	ssettag s2;
	_ =	strace s9  }
0x27: {  	s1 =	sld [smem:$0x3FAB]  }
0x28: {  	s2 =	sld [smem:$0x3FAC]  }
0x29: {  	s4 =	sld [smem:$0x3FAE]  }
0x2a: {  	p0 =	seq.s32 s5, $0x0;
	s5 =	sld [smem:$0x3FAF]  }
0x2b: {  	s6 =	sld [smem:$0x3FB0]  }
0x2c: {  	s7 =	sld [smem:$0x3FB1]  }
0x2d: {  	s3 =	simm.s32 $0x108;
	s8 =	sld [smem:$0x3FB2]  }
0x2e: {  	s3 =	simm.s32 @!p0 $0x1082;
	s9 =	sld [smem:$0x3FB3]  }
0x2f: {  	lr =	sadd.s32 s0, s3;
	s0 =	sld [smem:$0x3FAA]  }
0x30: {  	s3 =	sld [smem:$0x3FAD]  }
0x31: {  	[smem:$0x3FB6] =	sst s10  }
0x32: {  	s10 =	sld [smem:$0x3FB4];
	_ =	sdelay $0x3  }
0x33: {  	p0 =	seq.s32 s10, $0x1;
	s10 =	sld [smem:$0x3FB6];
	_ =	sdelay $0x3  }
0x34: {  	[smem:$0x3FB6] =	sst s10  }
0x35: {  	s10 =	sld [smem:$0x3FB5];
	_ =	sdelay $0x3  }
0x36: {  	p1 =	seq.s32 s10, $0x1;
	s10 =	sld [smem:$0x3FB6];
	_ =	sdelay $0x3  }
0x37: {  	[smem:$0x3FB6] =	sst s10  }
0x38: {  	s10 =	sld [smem:$0x3FB7]  }
0x39: {  	_ = 	snop;
	(pc) =	sbr.ind lr, $3  }
0x3a: {  	_ = 	snop  }
0x3b: {  	_ = 	snop  }
0x3c: {  	p2 =	seq.s32 s10, $0x1;
	s10 =	sld [smem:$0x3FB6]  }
0x3d: {  	_ =	shalt  }
0x3e: {  	_ =	shalt  }
0x3f: {  	_ =	shalt  }
0x40: {  	_ =	shalt  }
0x41: {  	_ =	shalt  }
0x42: {  	_ =	shalt  }
0x43: {  	_ =	shalt  }
0x44: {  	_ =	shalt  }
0x45: {  	_ =	shalt  }
0x46: {  	_ =	shalt  }
0x47: {  	_ =	shalt  }
0x48: {  	_ =	shalt  }
0x49: {  	_ =	shalt  }
0x4a: {  	_ =	shalt  }
0x4b: {  	_ =	shalt  }
0x4c: {  	_ =	shalt  }
0x4d: {  	_ =	shalt  }
0x4e: {  	_ =	shalt  }
0x4f: {  	_ =	shalt  }
0x50: {  	_ =	shalt  }
0x51: {  	_ =	shalt  }
0x52: {  	_ =	shalt  }
0x53: {  	_ =	shalt  }
0x54: {  	_ =	shalt  }
0x55: {  	_ =	shalt  }
0x56: {  	_ =	shalt  }
0x57: {  	_ =	shalt  }
0x58: {  	_ =	shalt  }
0x59: {  	_ =	shalt  }
0x5a: {  	_ =	shalt  }
0x5b: {  	_ =	shalt  }
0x5c: {  	_ =	shalt  }
0x5d: {  	_ =	shalt  }
0x5e: {  	_ =	shalt  }
0x5f: {  	_ =	shalt  }
0x60: {  	_ =	shalt  }
0x61: {  	_ =	shalt  }
0x62: {  	_ =	shalt  }
0x63: {  	_ =	shalt  }
0x64: {  	_ =	shalt  }
0x65: {  	_ =	shalt  }
0x66: {  	_ =	shalt  }
0x67: {  	_ =	shalt  }
0x68: {  	_ =	shalt  }
0x69: {  	_ =	shalt  }
0x6a: {  	_ =	shalt  }
0x6b: {  	_ =	shalt  }
0x6c: {  	_ =	shalt  }
0x6d: {  	_ =	shalt  }
0x6e: {  	_ =	shalt  }
0x6f: {  	_ =	shalt  }
0x70: {  	_ =	shalt  }
0x71: {  	_ =	shalt  }
0x72: {  	_ =	shalt  }
0x73: {  	_ =	shalt  }
0x74: {  	_ =	shalt  }
0x75: {  	_ =	shalt  }
0x76: {  	_ =	shalt  }
0x77: {  	_ =	shalt  }
0x78: {  	_ =	shalt  }
0x79: {  	_ =	shalt  }
0x7a: {  	_ =	shalt  }
0x7b: {  	_ =	shalt  }
0x7c: {  	_ =	shalt  }
0x7d: {  	_ =	shalt  }
0x7e: {  	_ =	shalt  }
0x7f: {  	_ =	shalt  }
0x80: {  	_ =	shalt  }
0x81: {  	_ =	shalt  }
0x82: {  	_ =	shalt  }
0x83: {  	_ =	shalt  }
0x84: {  	_ =	shalt  }
0x85: {  	_ =	shalt  }
0x86: {  	_ =	shalt  }
0x87: {  	_ =	shalt  }
.Lfunc_end0:
.L_simem_size_0:
called_computation.1_lowered:
.L_overlay_start_0:
0x88: {  	s2 =	sld [smem:$0x3FD9]  }
0x89: {  	s3 =	sld [smem:$0x3FFE];
	_ =	sdelay $0x1  }
0x8a: {  	s1 =	srdreg.scid  }
0x8b: {  	s0 =	sand.u32 $0x1, s1  }
0x8c: {  	s17 =	sshll.u32 s0, $0xA;
	s2 =	sadd.s32 s3, s2  }
0x8d: {  	s2 =	sadd.s32 s2, s17  }
0x8e: {  	[smem:$0x3FC2] =	sst s2  }
0x8f: {  	_ = 	snop  }
0x90: {  	s2 =	sld [smem:$0x3FD0];
	(tm) =	ssettm $0x1  }
0x91: {  	s18 =	sld [smem:$0x3FFB];
	_ =	sdelay $0x3  }
0x92: {  	_ =	strace s18  }
0x93: {  	s3 =	sld [smem:$0x3FFC];
	_ =	sdelay $0x3  }
0x94: {  	_ =	strace s3  }
0x95: {  	s3 =	sld [smem:$0x3FFD];
	_ =	sdelay $0x3  }
0x96: {  	_ =	strace s3  }
0x97: {  	_ =	strace $0x8FFFFFFF  }
0x98: {  	s19 =	sld [smem:$0x3FDB];
	_ =	sdelay $0x1  }
0x99: {  	s4 =	simm.s32 $_scs_section_size  }
0x9a: {  	s5 =	simm.s32 $_size__tile_overlayer_lowered;
	s6 =	simm.s32 $_tile_overlayer_lowered  }
0x9b: {  	s22 =	simm.s32 $0x1BFF;
	s21 =	sshll.u32 s6, $0x1;
	s3 =	sadd.s32 s4, s19  }
0x9c: {  	s7 =	simm.s32 $0x0;
	s20 =	sshll.u32 s5, $0x1;
	s5 =	sadd.s32 s21, s3  }
0x9d: {  	[timem:s7], [sflag:s22] =	dma.local [hbm:s5], s20  }
0x9e: {  	_ =	swait.ge [sflag:s22], s20  }
0x9f: {  	s4 =	ssub.s32 $0x0, s20;
	[sflag:s22] =	ssyncset.done $0x0  }
0xa0: {  	[sflag:s22] =	ssyncadd.s32 s4;
	_ =	sdelay $0x1  }
0xa1: {  	s23 =	simm.s32 $0x1B8B  }
0xa2: {  	_ =	swait.ge [sflag:s23], $0x1  }
0xa3: {  	[sflag:s23] =	ssyncset.done $0x0  }
0xa4: {  	s25 =	simm.s32 $0x1B8E;
	s24 =	sld [smem:$0x3FFE];
	[sflag:s23] =	ssyncadd.s32 $0xFFFFFFFF  }
0xa5: {  	s26 =	simm.s32 $execute0_lowered;
	[smem:$0x3FD2] =	sst s25  }
0xa6: {  	s5 =	sshll.u32 s26, $0x1;
	_ =	strace $0x80000049;
	[dreg:$0x1] =	wrdreg $0xFFFFFFFF  }
0xa7: {  	s28 =	simm.s32 $_size_execute0_lowered;
	s3 =	sadd.s32 s3, s5;
	[dreg:$0x0] =	wrdreg $0x0  }
0xa8: {  	s5 =	sshll.u32 s28, $0x1;
	[dreg:$0x2] =	wrdreg s3  }
0xa9: {  	[dreg:$0x3] =	wrdreg s5  }
0xaa: {  	[dreg:$0x4] =	wrdreg $0xC0  }
0xab: {  	_ =	task [dreg:s7], $0x5FFFF  }
0xac: {  	[dreg:$0x1] =	wrdreg $0xFFFFFFFF  }
0xad: {  	[dreg:$0x0] =	wrdreg $0x60  }
0xae: {  	[dreg:$0x2] =	wrdreg s2  }
0xaf: {  	[dreg:$0x3] =	wrdreg s24  }
0xb0: {  	[dreg:$0x4] =	wrdreg $0xB5400  }
0xb1: {  	[dreg:$0x5] =	wrdreg $0x9  }
0xb2: {  	_ =	task.clear_ibuf [dreg:s7], $0x6FFFF;
	_ =	strace $0x90000049  }
0xb3: {  	s29 =	simm.s32 $0x9;
	_ =	strace $0x8000004B  }
0xb4: {  	_ =	swait.ge [sflag:s29], $0x1  }
0xb5: {  	[sflag:s29] =	ssyncadd.s32 $0xFFFFFFFF  }
0xb6: {  	_ =	strace $0x9000004B  }
0xb7: {  	_ =	sfence  }
0xb8: {  	s30 =	sld [smem:$0x0];
	_ =	sdelay $0x2  }
0xb9: {  	s31 =	sshll.u32 s1, $0xD;
	s1 =	sshrl.u32 s1, $0x2  }
0xba: {  	s3 =	sand.u32 $0x4000, s31;
	s1 =	sadd.s32 s1, s30  }
0xbb: {  	s0 =	sor.u32 s3, s0;
	s1 =	sshll.u32 s1, $0x11  }
0xbc: {  	s0 =	sor.u32 s1, s0  }
0xbd: {  	s0 =	sadd.s32 $0x8F2B, s0  }
0xbe: {  	[sflag:s0] =	ssyncadd.remote.s32 $0x1  }
0xbf: {  	_ =	sfence.sel $0xFFFF  }
0xc0: {  	[dreg:$0x0] =	wrdreg $0xFFFFFFFF;
	(pc) =	sbr.abs _section_cstart, $3  }
0xc1: {  	[dreg:$0x1] =	wrdreg $0xFFFFFFFF  }
0xc2: {  	_ =	task.clear_ibuf [dreg:s7], $0x2FFFF;
	_ =	strace $0x9FFFFFFF  }
0xc3: {  	(tm) =	ssettm $0x7FFFFFFF  }
tec
execute0_lowered:
.L_overlay_start_1:
0x0: {  	(tag) =	ssettag $0x1  }
0x1: {  	s1 =	rddreg [dreg:$0x0]  }
0x2: {  	s5 =	rddreg [dreg:$0x1]  }
0x3: {  	s3 =	rddreg [dreg:$0x2];
	s4 =	srdreg.scid  }
0x4: {  	s0 =	rddreg [dreg:$0x3];
	s2 =	stileid.u32  }
0x5: {  	s16 =	simm.s32 $0x5;
	s17 =	simm.s32 $0x28A0;
	s18 =	simm.s32 $0x5140  }
0x6: {  	s19 =	simm.s32 $0x64;
	s20 =	simm.s32 $0x68;
	s21 =	simm.s32 $0x8340  }
0x7: {  	s22 =	simm.s32 $0x1;
	s23 =	simm.s32 $0x2;
	s24 =	simm.s32 $0x2908  }
0x8: {  	s25 =	simm.s32 $0x3;
	s26 =	simm.s32 $0x4;
	s28 =	simm.s32 $0x0  }
0x9: {  	s6 =	sand.u32 $0x1, s4;
	s4 =	simm.s32 $0x0;
	s8 =	smul.u32 $0x13880, s2  }
0xa: {  	s10 =	smul.u32 $0x4E200, s2;
	s7 =	sshll.u32 s6, $0x4;
	[smem:$0x7FF] =	sst s4  }
0xb: {  	s9 =	smul.u32 $0x138C00, s6;
	s6 =	ssub.s32 $0x2, s6;
	s7 =	sor.u32 s2, s7  }
0xc: {  	_ =	strace $0x8000004A;
	s11 =	sshrl.u32 s6, $0x1;
	s31 =	sshrl.u32 s10, $0x2  }
0xd: {  	s7 =	smul.u32 $0x514, s7;
	s9 =	sadd.s32 s8, s9;
	s13 =	sadd.s32 s31, s3  }
0xe: {  	s15 =	ssub.s32 s6, s11;
	s9 =	sshrl.u32 s9, $0x3;
	s10 =	sadd.s32 $0x9600, s13  }
0xf: {  	s11 =	sadd.s32 $0xC800, s13;
	s12 =	sadd.s32 $0xFA00, s13;
	s15 =	smax.u32 s15, $0x1  }
0x10: {  	s7 =	sadd.s32 s7, s5;
	s14 =	sadd.s32 s9, s5;
	s9 =	sadd.s32 $0x6400, s13  }
0x11: {  	s5 =	sadd.s32 $0xC400, s7;
	s6 =	sadd.s32 $0x16800, s7;
	s7 =	sadd.s32 s8, s3  }
0x12: {  	v0 =	vimm.f32 $0.0e+00;
	s8 =	sadd.s32 $0x3200, s13;
	s13 =	sadd.s32 $0x12C00, s13;
	s14 =	sadd.s32 $0x20C00, s14  }
.LBB2_1:
0x13: {  	[tilespmem:s4], [sflag:$0x5] =	stream.linear.gather [hbm4b:s5+s4], $0x28A0, $0x38;
	[tilespmem:$0x1EE00] =	vst v63  }
0x14: {  	_ =	swait.ge [sflag:s16], $0x28A0  }
0x15: {  	[sflag:s16] =	ssyncset.done $0x0  }
0x16: {  	[sflag:s16] =	ssyncadd.s32 $0xFFFFD760  }
0x17: {  	[tilespmem:s17], [sflag:$0x5] =	stream.linear.gather [hbm4b:s6+s4], $0x28A0, $0x38;
	[tilespmem:$0x1EE00] =	vst v63  }
0x18: {  	_ =	swait.ge [sflag:s16], $0x28A0  }
0x19: {  	[sflag:s16] =	ssyncset.done $0x0  }
0x1a: {  	s29 =	simm.s32 $0x0;
	s30 =	simm.s32 $0x200;
	[sflag:s16] =	ssyncadd.s32 $0xFFFFD760  }
.LBB2_2:
0x1b: {  	p0 =	sne.s32 s30, $0xC600;
	[tilespmem:s29+$0x51B0] =	vst v0  }
0x1c: {  	[tilespmem:s29+$0x5140] =	vst v0  }
0x1d: {  	[tilespmem:s29+$0x5150] =	vst v0  }
.Ltmp0:
0x1e: {  	[tilespmem:s29+$0x5160] =	vst v0;
	(pc) =	sbr.rel @p0 .LBB2_2-.Ltmp0, $4  }
0x1f: {  	[tilespmem:s29+$0x5170] =	vst v0  }
0x20: {  	[tilespmem:s29+$0x5180] =	vst v0  }
0x21: {  	[tilespmem:s29+$0x5190] =	vst v0  }
0x22: {  	[tilespmem:s29+$0x51A0] =	vst v0;
	s29 =	sshra.s32 s30, $0x2;
	s30 =	sadd.s32 $0x200, s30  }
0x23: {  	[tilespmem:s29+$0x51B0] =	vst v0  }
0x24: {  	[tilespmem:s29+$0x5140] =	vst v0  }
0x25: {  	[tilespmem:s29+$0x5150] =	vst v0  }
0x26: {  	[tilespmem:s29+$0x5160] =	vst v0  }
0x27: {  	[tilespmem:s29+$0x5170] =	vst v0  }
0x28: {  	[tilespmem:s29+$0x5180] =	vst v0  }
0x29: {  	[tilespmem:s29+$0x5190] =	vst v0  }
0x2a: {  	[tilespmem:s29+$0x51A0] =	vst v0  }
0x2b: {  	[spmem:s7] =	stream.linear.scatter [tilespmem:s18], [sflag:$0x5], $0x3200, $0x38;
	[tilespmem:$0x1EE00] =	vst v63  }
0x2c: {  	_ =	swait.ge [sflag:s16], $0x3200  }
0x2d: {  	[sflag:s16] =	ssyncset.done $0x0  }
0x2e: {  	[sflag:s16] =	ssyncadd.s32 $0xFFFFCE00  }
0x2f: {  	[spmem:s8] =	stream.linear.scatter [tilespmem:s18], [sflag:$0x5], $0x3200, $0x38;
	[tilespmem:$0x1EE00] =	vst v63  }
0x30: {  	_ =	swait.ge [sflag:s16], $0x3200  }
0x31: {  	[sflag:s16] =	ssyncset.done $0x0  }
0x32: {  	[sflag:s16] =	ssyncadd.s32 $0xFFFFCE00  }
0x33: {  	[spmem:s9] =	stream.linear.scatter [tilespmem:s18], [sflag:$0x5], $0x3200, $0x38;
	[tilespmem:$0x1EE00] =	vst v63  }
0x34: {  	_ =	swait.ge [sflag:s16], $0x3200  }
0x35: {  	[sflag:s16] =	ssyncset.done $0x0  }
0x36: {  	[sflag:s16] =	ssyncadd.s32 $0xFFFFCE00  }
0x37: {  	[spmem:s10] =	stream.linear.scatter [tilespmem:s18], [sflag:$0x5], $0x3200, $0x38;
	[tilespmem:$0x1EE00] =	vst v63  }
0x38: {  	_ =	swait.ge [sflag:s16], $0x3200  }
0x39: {  	[sflag:s16] =	ssyncset.done $0x0  }
0x3a: {  	[sflag:s16] =	ssyncadd.s32 $0xFFFFCE00  }
0x3b: {  	[spmem:s11] =	stream.linear.scatter [tilespmem:s18], [sflag:$0x5], $0x3200, $0x38;
	[tilespmem:$0x1EE00] =	vst v63  }
0x3c: {  	_ =	swait.ge [sflag:s16], $0x3200  }
0x3d: {  	[sflag:s16] =	ssyncset.done $0x0  }
0x3e: {  	[sflag:s16] =	ssyncadd.s32 $0xFFFFCE00  }
0x3f: {  	[spmem:s12] =	stream.linear.scatter [tilespmem:s18], [sflag:$0x5], $0x3200, $0x38;
	[tilespmem:$0x1EE00] =	vst v63  }
0x40: {  	_ =	swait.ge [sflag:s16], $0x3200  }
0x41: {  	[sflag:s16] =	ssyncset.done $0x0  }
0x42: {  	[sflag:s16] =	ssyncadd.s32 $0xFFFFCE00  }
0x43: {  	[spmem:s13] =	stream.linear.scatter [tilespmem:s18], [sflag:$0x5], $0xC80, $0x38;
	[tilespmem:$0x1EE00] =	vst v63  }
0x44: {  	_ =	swait.ge [sflag:s16], $0xC80  }
0x45: {  	[sflag:s16] =	ssyncset.done $0x0  }
0x46: {  	[sflag:s16] =	ssyncadd.s32 $0xFFFFF380  }
0x47: {  	[bflag:$0x0] =	sbarrier.arrive $0xFFFF  }
0x48: {  	[tilespmem:s18], [sflag:$0x1] =	stream.indirect.gather [hbm4b:s1+s19], $0x80, s4, s19, $0xb8;
	[tilespmem:$0x1EE00] =	vst v63  }
0x49: {  	_ = 	snop  }
0x4a: {  	[tilespmem:s21], [sflag:$0x2] =	stream.indirect.gather [hbm4b:s1+s19], $0x80, s20, s19, $0xb8;
	[tilespmem:$0x1EE00] =	vst v63  }
0x4b: {  	_ =	swait.ge [sflag:s22], $0x3200  }
0x4c: {  	[sflag:s22] =	ssyncset.done $0x0  }
0x4d: {  	[sflag:s22] =	ssyncadd.s32 $0xFFFFCE00  }
0x4e: {  	[spmem:s3] =	stream.indirect.scatter.add.f32 [tilespmem:s18], [sflag:$0x3], $0x80, s17, s19, $0xb8;
	[tilespmem:$0x1EE00] =	vst v63  }
0x4f: {  	_ =	swait.ge [sflag:s23], $0x3200  }
0x50: {  	[sflag:s23] =	ssyncset.done $0x0  }
0x51: {  	[sflag:s23] =	ssyncadd.s32 $0xFFFFCE00  }
0x52: {  	[spmem:s3] =	stream.indirect.scatter.add.f32 [tilespmem:s21], [sflag:$0x4], $0x80, s24, s19, $0xb8;
	[tilespmem:$0x1EE00] =	vst v63  }
0x53: {  	_ =	swait.ge [sflag:s25], $0x3200  }
0x54: {  	[sflag:s25] =	ssyncset.done $0x0  }
0x55: {  	s29 =	simm.s32 $0xD0;
	[sflag:s25] =	ssyncadd.s32 $0xFFFFCE00  }
0x56: {  	[tilespmem:s18], [sflag:$0x1] =	stream.indirect.gather [hbm4b:s1+s19], $0x80, s29, s19, $0xb8;
	[tilespmem:$0x1EE00] =	vst v63  }
0x57: {  	_ =	swait.ge [sflag:s26], $0x3200  }
0x58: {  	[sflag:s26] =	ssyncset.done $0x0  }
0x59: {  	s29 =	simm.s32 $0x138;
	[sflag:s26] =	ssyncadd.s32 $0xFFFFCE00  }
0x5a: {  	[tilespmem:s21], [sflag:$0x2] =	stream.indirect.gather [hbm4b:s1+s19], $0x80, s29, s19, $0xb8;
	[tilespmem:$0x1EE00] =	vst v63  }
0x5b: {  	_ =	swait.ge [sflag:s22], $0x3200  }
0x5c: {  	[sflag:s22] =	ssyncset.done $0x0  }
0x5d: {  	s29 =	simm.s32 $0x2970;
	[sflag:s22] =	ssyncadd.s32 $0xFFFFCE00  }
0x5e: {  	[spmem:s3] =	stream.indirect.scatter.add.f32 [tilespmem:s18], [sflag:$0x3], $0x80, s29, s19, $0xb8;
	[tilespmem:$0x1EE00] =	vst v63  }
0x5f: {  	_ =	swait.ge [sflag:s23], $0x3200  }
0x60: {  	[sflag:s23] =	ssyncset.done $0x0  }
0x61: {  	s30 =	simm.s32 $0x29D8;
	s29 =	simm.s32 $0xFFFF6400;
	[sflag:s23] =	ssyncadd.s32 $0xFFFFCE00  }
.LBB2_4:
0x62: {  	[spmem:s3] =	stream.indirect.scatter.add.f32 [tilespmem:s21], [sflag:$0x4], $0x80, s30, s19, $0xb8;
	[tilespmem:$0x1EE00] =	vst v63  }
0x63: {  	s30 =	smov.u32 s29  }
0x64: {  	p0 =	sne.s32 s29, $0xFFFFFCC0;
	s29 =	sadd.s32 $0x340, s29;
	_ =	swait.ge [sflag:s25], $0x3200  }
0x65: {  	s30 =	sshra.s32 s30, $0x2;
	[sflag:s25] =	ssyncset.done $0x0  }
0x66: {  	s31 =	sadd.s32 $0x28A0, s30;
	[sflag:s25] =	ssyncadd.s32 $0xFFFFCE00  }
0x67: {  	[tilespmem:s18], [sflag:$0x1] =	stream.indirect.gather [hbm4b:s1+s19], $0x80, s31, s19, $0xb8;
	[tilespmem:$0x1EE00] =	vst v63  }
0x68: {  	_ =	swait.ge [sflag:s26], $0x3200  }
0x69: {  	[sflag:s26] =	ssyncset.done $0x0  }
0x6a: {  	s31 =	sadd.s32 $0x2908, s30;
	[sflag:s26] =	ssyncadd.s32 $0xFFFFCE00  }
0x6b: {  	[tilespmem:s21], [sflag:$0x2] =	stream.indirect.gather [hbm4b:s1+s19], $0x80, s31, s19, $0xb8;
	[tilespmem:$0x1EE00] =	vst v63  }
0x6c: {  	_ =	swait.ge [sflag:s22], $0x3200  }
0x6d: {  	[sflag:s22] =	ssyncset.done $0x0  }
.Ltmp1:
0x6e: {  	s31 =	sadd.s32 $0x5140, s30;
	[sflag:s22] =	ssyncadd.s32 $0xFFFFCE00;
	(pc) =	sbr.rel @p0 .LBB2_4-.Ltmp1, $4  }
0x6f: {  	[spmem:s3] =	stream.indirect.scatter.add.f32 [tilespmem:s18], [sflag:$0x3], $0x80, s31, s19, $0xb8;
	[tilespmem:$0x1EE00] =	vst v63  }
0x70: {  	_ =	swait.ge [sflag:s23], $0x3200  }
0x71: {  	[sflag:s23] =	ssyncset.done $0x0  }
0x72: {  	s30 =	sadd.s32 $0x51A8, s30;
	[sflag:s23] =	ssyncadd.s32 $0xFFFFCE00  }
0x73: {  	[spmem:s3] =	stream.indirect.scatter.add.f32 [tilespmem:s21], [sflag:$0x4], $0x80, s30, s19, $0xb8;
	[tilespmem:$0x1EE00] =	vst v63  }
0x74: {  	_ =	swait.ge [sflag:s25], $0x3200  }
0x75: {  	[sflag:s25] =	ssyncset.done $0x0  }
0x76: {  	[sflag:s25] =	ssyncadd.s32 $0xFFFFCE00  }
0x77: {  	_ =	swait.ge [sflag:s26], $0x3200  }
0x78: {  	s29 =	sshll.u32 s2, $0x6;
	s28 =	sadd.s32 $0x1, s28;
	[sflag:s26] =	ssyncset.done $0x0  }
0x79: {  	s31 =	sshrl.u32 s7, $0x3;
	p0 =	sne.s32 s28, s15;
	[sflag:s26] =	ssyncadd.s32 $0xFFFFCE00  }
.Ltmp2:
0x7a: {  	s29 =	sor.u32 $0x1C05, s29;
	[bflag:$0x0] =	sbarrier.arrive $0xFFFF;
	(pc) =	sbr.rel @p0 .LBB2_1-.Ltmp2, $4  }
0x7b: {  	[hbm:s14], [sflag:s29] =	dma.local [spmem:s31], $0x2710  }
0x7c: {  	_ =	swait.ge [sflag:s16], $0x2710  }
0x7d: {  	[sflag:s16] =	ssyncset.done $0x0  }
0x7e: {  	[sflag:s16] =	ssyncadd.s32 $0xFFFFD8F0  }
0x7f: {  	_ =	sfence.sel $0x180000  }
0x80: {  	[bflag:$0x0] =	sbarrier.arrive $0xFFFF  }
0x81: {  	p0 =	sne.s32 s2, $0x0;
	_ =	strace $0x9000004A  }
0x82: {  	s0 =	sadd.s32 @!p0 $0x100000, s0;
	[bflag:$0x2] =	sbarrier.arrive $0xFFFF  }
0x83: {  	[sflag:s0] =	ssyncadd.tile.s32 @!p0 $0x1;
	_ =	shalt  }
.Lfunc_end2:
_tile_overlayer_lowered:
.L_overlay_start_2:
0x84: {  	(tag) =	ssettag $0x2  }
0x85: {  	s0 =	rddreg [dreg:$0x0];
	s2 =	stileid.u32  }
0x86: {  	s1 =	rddreg [dreg:$0x1];
	p0 =	sne.s32 s2, $0x0  }
0x87: {  	s3 =	rddreg [dreg:$0x2];
	[bflag:$0x3] =	sbarrier.arrive $0xFFFF;
	s2 =	simm.s32 @!p0 $0x1C05  }
0x88: {  	[timem:s3], [sflag:s2] =	dma.local @!p0 [hbm:s0], s1  }
0x89: {  	s0 =	simm.s32 @!p0 $0x5  }
0x8a: {  	_ =	swait.ge @!p0 [sflag:s0], s1  }
0x8b: {  	s1 =	ssub.s32 @!p0 $0x0, s1;
	[sflag:s0] =	ssyncset.done @!p0 $0x0  }
0x8c: {  	[sflag:s0] =	ssyncadd.s32 @!p0 s1  }
0x8d: {  	[bflag:$0x3] =	sbarrier.arrive $0xFFFF  }
0x8e: {  	_ =	shalt  }

// kernel: kernel.14.cloned.1.call-start
scs
__scs_entry_jumppad:
0x0: {  	(pc) =	sbr.rel $0x88, $3  }
0x1: {  	(tag) =	ssettag $0x0;
	lr =	simm.s32 $0x1  }
0x2: {  	[smem:$0x3F9B] =	sst lr;
	_ =	strace $0xD0000000  }
0x3: {  	_ = 	snop  }
0x4: {  	_ = 	snop  }
0x5: {  	_ = 	snop  }
0x6: {  	_ = 	snop  }
0x7: {  	_ = 	snop  }
__scs_overlays_trampoline_lowered:
0x8: {  	[smem:$0x3FAA] =	sst s0  }
0x9: {  	[smem:$0x3FAB] =	sst s1  }
0xa: {  	[smem:$0x3FAC] =	sst s2  }
0xb: {  	[smem:$0x3FAD] =	sst s3  }
0xc: {  	[smem:$0x3FAE] =	sst s4  }
0xd: {  	[smem:$0x3FAF] =	sst s5  }
0xe: {  	[smem:$0x3FB0] =	sst s6  }
0xf: {  	[smem:$0x3FB1] =	sst s7  }
0x10: {  	[smem:$0x3FB2] =	sst s8  }
0x11: {  	[smem:$0x3FB3] =	sst s9;
	s0 =	simm.s32 @!p0 $0x0  }
0x12: {  	s1 =	sld [smem:$0x3F99];
	s0 =	simm.s32 @p0 $0x1  }
0x13: {  	[smem:$0x3FB4] =	sst s0;
	s0 =	simm.s32 @!p1 $0x0  }
0x14: {  	s2 =	sld [smem:$0x3F98];
	s0 =	simm.s32 @p1 $0x1  }
0x15: {  	[smem:$0x3FB5] =	sst s0;
	s0 =	simm.s32 @!p2 $0x0  }
0x16: {  	s3 =	sld [smem:$0x3FDB];
	s0 =	simm.s32 @p2 $0x1  }
0x17: {  	s4 =	simm.s32 $0x1BF5;
	[smem:$0x3FB7] =	sst s0  }
0x18: {  	s0 =	sld [smem:$0x3F9A];
	_ =	swait.ge [sflag:s4], $0x0  }
0x19: {  	s7 =	sld [smem:$0x3F9B]  }
0x1a: {  	s8 =	sadd.s32 $0xFFFFE003, lr  }
0x1b: {  	s9 =	sadd.s32 $0xFFFFFEF7, lr;
	s5 =	simm.s32 $0xFFFFFFFF;
	p2 =	slt.u32 s8, $0xFFFFF086  }
0x1c: {  	p1 =	slt.u32 s9, $0xF7A;
	s5 =	simm.s32 @!p2 $0x0  }
0x1d: {  	s5 =	simm.s32 @p1 $0x1;
	p0 =	seq.s32 s7, s2  }
0x1e: {  	s7 =	smul.u32 @!p0 $0xF7A, s2;
	p2 =	seq.s32 @!p0 s5, $0x0  }
0x1f: {  	s9 =	smul.u32 $0xF7A, s1;
	s8 =	simm.s32 @!p0 $0x1BF5;
	p2 =	por !p2, p0  }
0x20: {  	[sflag:s8] =	ssyncset.s32 @!p0 $0xFFFFF086;
	s6 =	sadd.s32 @!p0 s3, s7;
	s7 =	simm.s32 @!p0 $0x108  }
0x21: {  	s3 =	sadd.s32 s3, s9;
	s6 =	sadd.s32 @!p0 $0x88, s6;
	s7 =	simm.s32 @p2 $0x1082  }
0x22: {  	[simem:s7], [sflag:s8] =	dma.local @!p0 [hbm:s6], $0xF7A  }
0x23: {  	s9 =	sor.u32 $0xD0000000, s2;
	s6 =	simm.s32 $0x108;
	_ =	swait.ge @!p0 [sflag:s8], $0x0  }
0x24: {  	s3 =	sadd.s32 $0x88, s3;
	s6 =	simm.s32 @!p1 $0x1082;
	[sflag:s4] =	ssyncset.s32 $0xFFFFF086  }
0x25: {  	[simem:s6], [sflag:s4] =	dma.local [hbm:s3], $0xF7A  }
0x26: {  	[smem:$0x3F9B] =	sst s1;
	(tag) =	ssettag s2;
	_ =	strace s9  }
0x27: {  	s1 =	sld [smem:$0x3FAB]  }
0x28: {  	s2 =	sld [smem:$0x3FAC]  }
0x29: {  	s4 =	sld [smem:$0x3FAE]  }
0x2a: {  	p0 =	seq.s32 s5, $0x0;
	s5 =	sld [smem:$0x3FAF]  }
0x2b: {  	s6 =	sld [smem:$0x3FB0]  }
0x2c: {  	s7 =	sld [smem:$0x3FB1]  }
0x2d: {  	s3 =	simm.s32 $0x108;
	s8 =	sld [smem:$0x3FB2]  }
0x2e: {  	s3 =	simm.s32 @!p0 $0x1082;
	s9 =	sld [smem:$0x3FB3]  }
0x2f: {  	lr =	sadd.s32 s0, s3;
	s0 =	sld [smem:$0x3FAA]  }
0x30: {  	s3 =	sld [smem:$0x3FAD]  }
0x31: {  	[smem:$0x3FB6] =	sst s10  }
0x32: {  	s10 =	sld [smem:$0x3FB4];
	_ =	sdelay $0x3  }
0x33: {  	p0 =	seq.s32 s10, $0x1;
	s10 =	sld [smem:$0x3FB6];
	_ =	sdelay $0x3  }
0x34: {  	[smem:$0x3FB6] =	sst s10  }
0x35: {  	s10 =	sld [smem:$0x3FB5];
	_ =	sdelay $0x3  }
0x36: {  	p1 =	seq.s32 s10, $0x1;
	s10 =	sld [smem:$0x3FB6];
	_ =	sdelay $0x3  }
0x37: {  	[smem:$0x3FB6] =	sst s10  }
0x38: {  	s10 =	sld [smem:$0x3FB7]  }
0x39: {  	_ = 	snop;
	(pc) =	sbr.ind lr, $3  }
0x3a: {  	_ = 	snop  }
0x3b: {  	_ = 	snop  }
0x3c: {  	p2 =	seq.s32 s10, $0x1;
	s10 =	sld [smem:$0x3FB6]  }
0x3d: {  	_ =	shalt  }
0x3e: {  	_ =	shalt  }
0x3f: {  	_ =	shalt  }
0x40: {  	_ =	shalt  }
0x41: {  	_ =	shalt  }
0x42: {  	_ =	shalt  }
0x43: {  	_ =	shalt  }
0x44: {  	_ =	shalt  }
0x45: {  	_ =	shalt  }
0x46: {  	_ =	shalt  }
0x47: {  	_ =	shalt  }
0x48: {  	_ =	shalt  }
0x49: {  	_ =	shalt  }
0x4a: {  	_ =	shalt  }
0x4b: {  	_ =	shalt  }
0x4c: {  	_ =	shalt  }
0x4d: {  	_ =	shalt  }
0x4e: {  	_ =	shalt  }
0x4f: {  	_ =	shalt  }
0x50: {  	_ =	shalt  }
0x51: {  	_ =	shalt  }
0x52: {  	_ =	shalt  }
0x53: {  	_ =	shalt  }
0x54: {  	_ =	shalt  }
0x55: {  	_ =	shalt  }
0x56: {  	_ =	shalt  }
0x57: {  	_ =	shalt  }
0x58: {  	_ =	shalt  }
0x59: {  	_ =	shalt  }
0x5a: {  	_ =	shalt  }
0x5b: {  	_ =	shalt  }
0x5c: {  	_ =	shalt  }
0x5d: {  	_ =	shalt  }
0x5e: {  	_ =	shalt  }
0x5f: {  	_ =	shalt  }
0x60: {  	_ =	shalt  }
0x61: {  	_ =	shalt  }
0x62: {  	_ =	shalt  }
0x63: {  	_ =	shalt  }
0x64: {  	_ =	shalt  }
0x65: {  	_ =	shalt  }
0x66: {  	_ =	shalt  }
0x67: {  	_ =	shalt  }
0x68: {  	_ =	shalt  }
0x69: {  	_ =	shalt  }
0x6a: {  	_ =	shalt  }
0x6b: {  	_ =	shalt  }
0x6c: {  	_ =	shalt  }
0x6d: {  	_ =	shalt  }
0x6e: {  	_ =	shalt  }
0x6f: {  	_ =	shalt  }
0x70: {  	_ =	shalt  }
0x71: {  	_ =	shalt  }
0x72: {  	_ =	shalt  }
0x73: {  	_ =	shalt  }
0x74: {  	_ =	shalt  }
0x75: {  	_ =	shalt  }
0x76: {  	_ =	shalt  }
0x77: {  	_ =	shalt  }
0x78: {  	_ =	shalt  }
0x79: {  	_ =	shalt  }
0x7a: {  	_ =	shalt  }
0x7b: {  	_ =	shalt  }
0x7c: {  	_ =	shalt  }
0x7d: {  	_ =	shalt  }
0x7e: {  	_ =	shalt  }
0x7f: {  	_ =	shalt  }
0x80: {  	_ =	shalt  }
0x81: {  	_ =	shalt  }
0x82: {  	_ =	shalt  }
0x83: {  	_ =	shalt  }
0x84: {  	_ =	shalt  }
0x85: {  	_ =	shalt  }
0x86: {  	_ =	shalt  }
0x87: {  	_ =	shalt  }
.Lfunc_end0:
.L_simem_size_0:
called_computation.2_lowered:
.L_overlay_start_0:
0x88: {  	s2 =	sld [smem:$0x3FD9]  }
0x89: {  	s3 =	sld [smem:$0x3FFE];
	_ =	sdelay $0x1  }
0x8a: {  	s1 =	srdreg.scid  }
0x8b: {  	s0 =	sand.u32 $0x1, s1  }
0x8c: {  	s17 =	sshll.u32 s0, $0xA;
	s2 =	sadd.s32 s3, s2  }
0x8d: {  	s2 =	sadd.s32 s2, s17  }
0x8e: {  	[smem:$0x3FC2] =	sst s2  }
0x8f: {  	_ = 	snop  }
0x90: {  	s2 =	sld [smem:$0x3FD0];
	(tm) =	ssettm $0x1  }
0x91: {  	s18 =	sld [smem:$0x3FFB];
	_ =	sdelay $0x3  }
0x92: {  	_ =	strace s18  }
0x93: {  	s3 =	sld [smem:$0x3FFC];
	_ =	sdelay $0x3  }
0x94: {  	_ =	strace s3  }
0x95: {  	s3 =	sld [smem:$0x3FFD];
	_ =	sdelay $0x3  }
0x96: {  	_ =	strace s3  }
0x97: {  	_ =	strace $0x8FFFFFFF  }
0x98: {  	s19 =	sld [smem:$0x3FDB];
	_ =	sdelay $0x1  }
0x99: {  	s4 =	simm.s32 $_scs_section_size  }
0x9a: {  	s5 =	simm.s32 $_size__tile_overlayer_lowered;
	s6 =	simm.s32 $_tile_overlayer_lowered  }
0x9b: {  	s22 =	simm.s32 $0x1BFF;
	s21 =	sshll.u32 s6, $0x1;
	s3 =	sadd.s32 s4, s19  }
0x9c: {  	s7 =	simm.s32 $0x0;
	s20 =	sshll.u32 s5, $0x1;
	s5 =	sadd.s32 s21, s3  }
0x9d: {  	[timem:s7], [sflag:s22] =	dma.local [hbm:s5], s20  }
0x9e: {  	_ =	swait.ge [sflag:s22], s20  }
0x9f: {  	s4 =	ssub.s32 $0x0, s20;
	[sflag:s22] =	ssyncset.done $0x0  }
0xa0: {  	[sflag:s22] =	ssyncadd.s32 s4;
	_ =	sdelay $0x1  }
0xa1: {  	s23 =	simm.s32 $0x1B8B  }
0xa2: {  	_ =	swait.ge [sflag:s23], $0x1  }
0xa3: {  	[sflag:s23] =	ssyncset.done $0x0  }
0xa4: {  	s25 =	simm.s32 $0x1B8E;
	s24 =	sld [smem:$0x3FFE];
	[sflag:s23] =	ssyncadd.s32 $0xFFFFFFFF  }
0xa5: {  	s26 =	simm.s32 $execute0_lowered;
	[smem:$0x3FD2] =	sst s25  }
0xa6: {  	s5 =	sshll.u32 s26, $0x1;
	_ =	strace $0x8000004C;
	[dreg:$0x1] =	wrdreg $0xFFFFFFFF  }
0xa7: {  	s28 =	simm.s32 $_size_execute0_lowered;
	s3 =	sadd.s32 s3, s5;
	[dreg:$0x0] =	wrdreg $0x0  }
0xa8: {  	s5 =	sshll.u32 s28, $0x1;
	[dreg:$0x2] =	wrdreg s3  }
0xa9: {  	[dreg:$0x3] =	wrdreg s5  }
0xaa: {  	[dreg:$0x4] =	wrdreg $0xC0  }
0xab: {  	_ =	task [dreg:s7], $0x5FFFF  }
0xac: {  	[dreg:$0x1] =	wrdreg $0xFFFFFFFF  }
0xad: {  	[dreg:$0x0] =	wrdreg $0x60  }
0xae: {  	[dreg:$0x2] =	wrdreg s2  }
0xaf: {  	[dreg:$0x3] =	wrdreg s24  }
0xb0: {  	[dreg:$0x4] =	wrdreg $0xB5400  }
0xb1: {  	[dreg:$0x5] =	wrdreg $0x9  }
0xb2: {  	_ =	task.clear_ibuf [dreg:s7], $0x6FFFF;
	_ =	strace $0x9000004C  }
0xb3: {  	s29 =	simm.s32 $0x9;
	_ =	strace $0x8000004E  }
0xb4: {  	_ =	swait.ge [sflag:s29], $0x1  }
0xb5: {  	[sflag:s29] =	ssyncadd.s32 $0xFFFFFFFF  }
0xb6: {  	_ =	strace $0x9000004E  }
0xb7: {  	_ =	sfence  }
0xb8: {  	s30 =	sld [smem:$0x0];
	_ =	sdelay $0x2  }
0xb9: {  	s31 =	sshll.u32 s1, $0xD;
	s1 =	sshrl.u32 s1, $0x2  }
0xba: {  	s3 =	sand.u32 $0x4000, s31;
	s1 =	sadd.s32 s1, s30  }
0xbb: {  	s0 =	sor.u32 s3, s0;
	s1 =	sshll.u32 s1, $0x11  }
0xbc: {  	s0 =	sor.u32 s1, s0  }
0xbd: {  	s0 =	sadd.s32 $0x8F2B, s0  }
0xbe: {  	[sflag:s0] =	ssyncadd.remote.s32 $0x1  }
0xbf: {  	_ =	sfence.sel $0xFFFF  }
0xc0: {  	[dreg:$0x0] =	wrdreg $0xFFFFFFFF;
	(pc) =	sbr.abs _section_cstart, $3  }
0xc1: {  	[dreg:$0x1] =	wrdreg $0xFFFFFFFF  }
0xc2: {  	_ =	task.clear_ibuf [dreg:s7], $0x2FFFF;
	_ =	strace $0x9FFFFFFF  }
0xc3: {  	(tm) =	ssettm $0x7FFFFFFF  }
tec
execute0_lowered:
.L_overlay_start_1:
0x0: {  	(tag) =	ssettag $0x1  }
0x1: {  	s1 =	rddreg [dreg:$0x0]  }
0x2: {  	s5 =	rddreg [dreg:$0x1]  }
0x3: {  	s3 =	rddreg [dreg:$0x2];
	s4 =	srdreg.scid  }
0x4: {  	s0 =	rddreg [dreg:$0x3];
	s2 =	stileid.u32  }
0x5: {  	s16 =	simm.s32 $0x5;
	s17 =	simm.s32 $0x28A0;
	s18 =	simm.s32 $0x5140  }
0x6: {  	s19 =	simm.s32 $0x64;
	s20 =	simm.s32 $0x68;
	s21 =	simm.s32 $0x8340  }
0x7: {  	s22 =	simm.s32 $0x1;
	s23 =	simm.s32 $0x2;
	s24 =	simm.s32 $0x2908  }
0x8: {  	s25 =	simm.s32 $0x3;
	s26 =	simm.s32 $0x4;
	s28 =	simm.s32 $0x0  }
0x9: {  	s6 =	sand.u32 $0x1, s4;
	s4 =	simm.s32 $0x0;
	s8 =	smul.u32 $0x13880, s2  }
0xa: {  	s10 =	smul.u32 $0x4E200, s2;
	s7 =	sshll.u32 s6, $0x4;
	[smem:$0x7FF] =	sst s4  }
0xb: {  	s9 =	smul.u32 $0x138C00, s6;
	s6 =	ssub.s32 $0x2, s6;
	s7 =	sor.u32 s2, s7  }
0xc: {  	_ =	strace $0x8000004D;
	s11 =	sshrl.u32 s6, $0x1;
	s31 =	sshrl.u32 s10, $0x2  }
0xd: {  	s7 =	smul.u32 $0x514, s7;
	s9 =	sadd.s32 s8, s9;
	s13 =	sadd.s32 s31, s3  }
0xe: {  	s15 =	ssub.s32 s6, s11;
	s9 =	sshrl.u32 s9, $0x3;
	s10 =	sadd.s32 $0x9600, s13  }
0xf: {  	s11 =	sadd.s32 $0xC800, s13;
	s12 =	sadd.s32 $0xFA00, s13;
	s15 =	smax.u32 s15, $0x1  }
0x10: {  	s7 =	sadd.s32 s7, s5;
	s14 =	sadd.s32 s9, s5;
	s9 =	sadd.s32 $0x6400, s13  }
0x11: {  	s5 =	sadd.s32 $0xC400, s7;
	s6 =	sadd.s32 $0x16800, s7;
	s7 =	sadd.s32 s8, s3  }
0x12: {  	v0 =	vimm.f32 $0.0e+00;
	s8 =	sadd.s32 $0x3200, s13;
	s13 =	sadd.s32 $0x12C00, s13;
	s14 =	sadd.s32 $0x20C00, s14  }
.LBB2_1:
0x13: {  	[tilespmem:s4], [sflag:$0x5] =	stream.linear.gather [hbm4b:s5+s4], $0x28A0, $0x38;
	[tilespmem:$0x1EE00] =	vst v63  }
0x14: {  	_ =	swait.ge [sflag:s16], $0x28A0  }
0x15: {  	[sflag:s16] =	ssyncset.done $0x0  }
0x16: {  	[sflag:s16] =	ssyncadd.s32 $0xFFFFD760  }
0x17: {  	[tilespmem:s17], [sflag:$0x5] =	stream.linear.gather [hbm4b:s6+s4], $0x28A0, $0x38;
	[tilespmem:$0x1EE00] =	vst v63  }
0x18: {  	_ =	swait.ge [sflag:s16], $0x28A0  }
0x19: {  	[sflag:s16] =	ssyncset.done $0x0  }
0x1a: {  	s29 =	simm.s32 $0x0;
	s30 =	simm.s32 $0x200;
	[sflag:s16] =	ssyncadd.s32 $0xFFFFD760  }
.LBB2_2:
0x1b: {  	p0 =	sne.s32 s30, $0xC600;
	[tilespmem:s29+$0x51B0] =	vst v0  }
0x1c: {  	[tilespmem:s29+$0x5140] =	vst v0  }
0x1d: {  	[tilespmem:s29+$0x5150] =	vst v0  }
.Ltmp0:
0x1e: {  	[tilespmem:s29+$0x5160] =	vst v0;
	(pc) =	sbr.rel @p0 .LBB2_2-.Ltmp0, $4  }
0x1f: {  	[tilespmem:s29+$0x5170] =	vst v0  }
0x20: {  	[tilespmem:s29+$0x5180] =	vst v0  }
0x21: {  	[tilespmem:s29+$0x5190] =	vst v0  }
0x22: {  	[tilespmem:s29+$0x51A0] =	vst v0;
	s29 =	sshra.s32 s30, $0x2;
	s30 =	sadd.s32 $0x200, s30  }
0x23: {  	[tilespmem:s29+$0x51B0] =	vst v0  }
0x24: {  	[tilespmem:s29+$0x5140] =	vst v0  }
0x25: {  	[tilespmem:s29+$0x5150] =	vst v0  }
0x26: {  	[tilespmem:s29+$0x5160] =	vst v0  }
0x27: {  	[tilespmem:s29+$0x5170] =	vst v0  }
0x28: {  	[tilespmem:s29+$0x5180] =	vst v0  }
0x29: {  	[tilespmem:s29+$0x5190] =	vst v0  }
0x2a: {  	[tilespmem:s29+$0x51A0] =	vst v0  }
0x2b: {  	[spmem:s7] =	stream.linear.scatter [tilespmem:s18], [sflag:$0x5], $0x3200, $0x38;
	[tilespmem:$0x1EE00] =	vst v63  }
0x2c: {  	_ =	swait.ge [sflag:s16], $0x3200  }
0x2d: {  	[sflag:s16] =	ssyncset.done $0x0  }
0x2e: {  	[sflag:s16] =	ssyncadd.s32 $0xFFFFCE00  }
0x2f: {  	[spmem:s8] =	stream.linear.scatter [tilespmem:s18], [sflag:$0x5], $0x3200, $0x38;
	[tilespmem:$0x1EE00] =	vst v63  }
0x30: {  	_ =	swait.ge [sflag:s16], $0x3200  }
0x31: {  	[sflag:s16] =	ssyncset.done $0x0  }
0x32: {  	[sflag:s16] =	ssyncadd.s32 $0xFFFFCE00  }
0x33: {  	[spmem:s9] =	stream.linear.scatter [tilespmem:s18], [sflag:$0x5], $0x3200, $0x38;
	[tilespmem:$0x1EE00] =	vst v63  }
0x34: {  	_ =	swait.ge [sflag:s16], $0x3200  }
0x35: {  	[sflag:s16] =	ssyncset.done $0x0  }
0x36: {  	[sflag:s16] =	ssyncadd.s32 $0xFFFFCE00  }
0x37: {  	[spmem:s10] =	stream.linear.scatter [tilespmem:s18], [sflag:$0x5], $0x3200, $0x38;
	[tilespmem:$0x1EE00] =	vst v63  }
0x38: {  	_ =	swait.ge [sflag:s16], $0x3200  }
0x39: {  	[sflag:s16] =	ssyncset.done $0x0  }
0x3a: {  	[sflag:s16] =	ssyncadd.s32 $0xFFFFCE00  }
0x3b: {  	[spmem:s11] =	stream.linear.scatter [tilespmem:s18], [sflag:$0x5], $0x3200, $0x38;
	[tilespmem:$0x1EE00] =	vst v63  }
0x3c: {  	_ =	swait.ge [sflag:s16], $0x3200  }
0x3d: {  	[sflag:s16] =	ssyncset.done $0x0  }
0x3e: {  	[sflag:s16] =	ssyncadd.s32 $0xFFFFCE00  }
0x3f: {  	[spmem:s12] =	stream.linear.scatter [tilespmem:s18], [sflag:$0x5], $0x3200, $0x38;
	[tilespmem:$0x1EE00] =	vst v63  }
0x40: {  	_ =	swait.ge [sflag:s16], $0x3200  }
0x41: {  	[sflag:s16] =	ssyncset.done $0x0  }
0x42: {  	[sflag:s16] =	ssyncadd.s32 $0xFFFFCE00  }
0x43: {  	[spmem:s13] =	stream.linear.scatter [tilespmem:s18], [sflag:$0x5], $0xC80, $0x38;
	[tilespmem:$0x1EE00] =	vst v63  }
0x44: {  	_ =	swait.ge [sflag:s16], $0xC80  }
0x45: {  	[sflag:s16] =	ssyncset.done $0x0  }
0x46: {  	[sflag:s16] =	ssyncadd.s32 $0xFFFFF380  }
0x47: {  	[bflag:$0x0] =	sbarrier.arrive $0xFFFF  }
0x48: {  	[tilespmem:s18], [sflag:$0x1] =	stream.indirect.gather [hbm4b:s1+s19], $0x80, s4, s19, $0xb8;
	[tilespmem:$0x1EE00] =	vst v63  }
0x49: {  	_ = 	snop  }
0x4a: {  	[tilespmem:s21], [sflag:$0x2] =	stream.indirect.gather [hbm4b:s1+s19], $0x80, s20, s19, $0xb8;
	[tilespmem:$0x1EE00] =	vst v63  }
0x4b: {  	_ =	swait.ge [sflag:s22], $0x3200  }
0x4c: {  	[sflag:s22] =	ssyncset.done $0x0  }
0x4d: {  	[sflag:s22] =	ssyncadd.s32 $0xFFFFCE00  }
0x4e: {  	[spmem:s3] =	stream.indirect.scatter.add.f32 [tilespmem:s18], [sflag:$0x3], $0x80, s17, s19, $0xb8;
	[tilespmem:$0x1EE00] =	vst v63  }
0x4f: {  	_ =	swait.ge [sflag:s23], $0x3200  }
0x50: {  	[sflag:s23] =	ssyncset.done $0x0  }
0x51: {  	[sflag:s23] =	ssyncadd.s32 $0xFFFFCE00  }
0x52: {  	[spmem:s3] =	stream.indirect.scatter.add.f32 [tilespmem:s21], [sflag:$0x4], $0x80, s24, s19, $0xb8;
	[tilespmem:$0x1EE00] =	vst v63  }
0x53: {  	_ =	swait.ge [sflag:s25], $0x3200  }
0x54: {  	[sflag:s25] =	ssyncset.done $0x0  }
0x55: {  	s29 =	simm.s32 $0xD0;
	[sflag:s25] =	ssyncadd.s32 $0xFFFFCE00  }
0x56: {  	[tilespmem:s18], [sflag:$0x1] =	stream.indirect.gather [hbm4b:s1+s19], $0x80, s29, s19, $0xb8;
	[tilespmem:$0x1EE00] =	vst v63  }
0x57: {  	_ =	swait.ge [sflag:s26], $0x3200  }
0x58: {  	[sflag:s26] =	ssyncset.done $0x0  }
0x59: {  	s29 =	simm.s32 $0x138;
	[sflag:s26] =	ssyncadd.s32 $0xFFFFCE00  }
0x5a: {  	[tilespmem:s21], [sflag:$0x2] =	stream.indirect.gather [hbm4b:s1+s19], $0x80, s29, s19, $0xb8;
	[tilespmem:$0x1EE00] =	vst v63  }
0x5b: {  	_ =	swait.ge [sflag:s22], $0x3200  }
0x5c: {  	[sflag:s22] =	ssyncset.done $0x0  }
0x5d: {  	s29 =	simm.s32 $0x2970;
	[sflag:s22] =	ssyncadd.s32 $0xFFFFCE00  }
0x5e: {  	[spmem:s3] =	stream.indirect.scatter.add.f32 [tilespmem:s18], [sflag:$0x3], $0x80, s29, s19, $0xb8;
	[tilespmem:$0x1EE00] =	vst v63  }
0x5f: {  	_ =	swait.ge [sflag:s23], $0x3200  }
0x60: {  	[sflag:s23] =	ssyncset.done $0x0  }
0x61: {  	s30 =	simm.s32 $0x29D8;
	s29 =	simm.s32 $0xFFFF6400;
	[sflag:s23] =	ssyncadd.s32 $0xFFFFCE00  }
.LBB2_4:
0x62: {  	[spmem:s3] =	stream.indirect.scatter.add.f32 [tilespmem:s21], [sflag:$0x4], $0x80, s30, s19, $0xb8;
	[tilespmem:$0x1EE00] =	vst v63  }
0x63: {  	s30 =	smov.u32 s29  }
0x64: {  	p0 =	sne.s32 s29, $0xFFFFFCC0;
	s29 =	sadd.s32 $0x340, s29;
	_ =	swait.ge [sflag:s25], $0x3200  }
0x65: {  	s30 =	sshra.s32 s30, $0x2;
	[sflag:s25] =	ssyncset.done $0x0  }
0x66: {  	s31 =	sadd.s32 $0x28A0, s30;
	[sflag:s25] =	ssyncadd.s32 $0xFFFFCE00  }
0x67: {  	[tilespmem:s18], [sflag:$0x1] =	stream.indirect.gather [hbm4b:s1+s19], $0x80, s31, s19, $0xb8;
	[tilespmem:$0x1EE00] =	vst v63  }
0x68: {  	_ =	swait.ge [sflag:s26], $0x3200  }
0x69: {  	[sflag:s26] =	ssyncset.done $0x0  }
0x6a: {  	s31 =	sadd.s32 $0x2908, s30;
	[sflag:s26] =	ssyncadd.s32 $0xFFFFCE00  }
0x6b: {  	[tilespmem:s21], [sflag:$0x2] =	stream.indirect.gather [hbm4b:s1+s19], $0x80, s31, s19, $0xb8;
	[tilespmem:$0x1EE00] =	vst v63  }
0x6c: {  	_ =	swait.ge [sflag:s22], $0x3200  }
0x6d: {  	[sflag:s22] =	ssyncset.done $0x0  }
.Ltmp1:
0x6e: {  	s31 =	sadd.s32 $0x5140, s30;
	[sflag:s22] =	ssyncadd.s32 $0xFFFFCE00;
	(pc) =	sbr.rel @p0 .LBB2_4-.Ltmp1, $4  }
0x6f: {  	[spmem:s3] =	stream.indirect.scatter.add.f32 [tilespmem:s18], [sflag:$0x3], $0x80, s31, s19, $0xb8;
	[tilespmem:$0x1EE00] =	vst v63  }
0x70: {  	_ =	swait.ge [sflag:s23], $0x3200  }
0x71: {  	[sflag:s23] =	ssyncset.done $0x0  }
0x72: {  	s30 =	sadd.s32 $0x51A8, s30;
	[sflag:s23] =	ssyncadd.s32 $0xFFFFCE00  }
0x73: {  	[spmem:s3] =	stream.indirect.scatter.add.f32 [tilespmem:s21], [sflag:$0x4], $0x80, s30, s19, $0xb8;
	[tilespmem:$0x1EE00] =	vst v63  }
0x74: {  	_ =	swait.ge [sflag:s25], $0x3200  }
0x75: {  	[sflag:s25] =	ssyncset.done $0x0  }
0x76: {  	[sflag:s25] =	ssyncadd.s32 $0xFFFFCE00  }
0x77: {  	_ =	swait.ge [sflag:s26], $0x3200  }
0x78: {  	s29 =	sshll.u32 s2, $0x6;
	s28 =	sadd.s32 $0x1, s28;
	[sflag:s26] =	ssyncset.done $0x0  }
0x79: {  	s31 =	sshrl.u32 s7, $0x3;
	p0 =	sne.s32 s28, s15;
	[sflag:s26] =	ssyncadd.s32 $0xFFFFCE00  }
.Ltmp2:
0x7a: {  	s29 =	sor.u32 $0x1C05, s29;
	[bflag:$0x0] =	sbarrier.arrive $0xFFFF;
	(pc) =	sbr.rel @p0 .LBB2_1-.Ltmp2, $4  }
0x7b: {  	[hbm:s14], [sflag:s29] =	dma.local [spmem:s31], $0x2710  }
0x7c: {  	_ =	swait.ge [sflag:s16], $0x2710  }
0x7d: {  	[sflag:s16] =	ssyncset.done $0x0  }
0x7e: {  	[sflag:s16] =	ssyncadd.s32 $0xFFFFD8F0  }
0x7f: {  	_ =	sfence.sel $0x180000  }
0x80: {  	[bflag:$0x0] =	sbarrier.arrive $0xFFFF  }
0x81: {  	p0 =	sne.s32 s2, $0x0;
	_ =	strace $0x9000004D  }
0x82: {  	s0 =	sadd.s32 @!p0 $0x100000, s0;
	[bflag:$0x2] =	sbarrier.arrive $0xFFFF  }
0x83: {  	[sflag:s0] =	ssyncadd.tile.s32 @!p0 $0x1;
	_ =	shalt  }
.Lfunc_end2:
_tile_overlayer_lowered:
.L_overlay_start_2:
0x84: {  	(tag) =	ssettag $0x2  }
0x85: {  	s0 =	rddreg [dreg:$0x0];
	s2 =	stileid.u32  }
0x86: {  	s1 =	rddreg [dreg:$0x1];
	p0 =	sne.s32 s2, $0x0  }
0x87: {  	s3 =	rddreg [dreg:$0x2];
	[bflag:$0x3] =	sbarrier.arrive $0xFFFF;
	s2 =	simm.s32 @!p0 $0x1C05  }
0x88: {  	[timem:s3], [sflag:s2] =	dma.local @!p0 [hbm:s0], s1  }
0x89: {  	s0 =	simm.s32 @!p0 $0x5  }
0x8a: {  	_ =	swait.ge @!p0 [sflag:s0], s1  }
0x8b: {  	s1 =	ssub.s32 @!p0 $0x0, s1;
	[sflag:s0] =	ssyncset.done @!p0 $0x0  }
0x8c: {  	[sflag:s0] =	ssyncadd.s32 @!p0 s1  }
0x8d: {  	[bflag:$0x3] =	sbarrier.arrive $0xFFFF  }
0x8e: {  	_ =	shalt  }

// kernel: kernel.8.cloned.1.call-start
scs
__scs_entry_jumppad:
0x0: {  	(pc) =	sbr.rel $0x88, $3  }
0x1: {  	(tag) =	ssettag $0x0;
	lr =	simm.s32 $0x1  }
0x2: {  	[smem:$0x3F9B] =	sst lr;
	_ =	strace $0xD0000000  }
0x3: {  	_ = 	snop  }
0x4: {  	_ = 	snop  }
0x5: {  	_ = 	snop  }
0x6: {  	_ = 	snop  }
0x7: {  	_ = 	snop  }
__scs_overlays_trampoline_lowered:
0x8: {  	[smem:$0x3FAA] =	sst s0  }
0x9: {  	[smem:$0x3FAB] =	sst s1  }
0xa: {  	[smem:$0x3FAC] =	sst s2  }
0xb: {  	[smem:$0x3FAD] =	sst s3  }
0xc: {  	[smem:$0x3FAE] =	sst s4  }
0xd: {  	[smem:$0x3FAF] =	sst s5  }
0xe: {  	[smem:$0x3FB0] =	sst s6  }
0xf: {  	[smem:$0x3FB1] =	sst s7  }
0x10: {  	[smem:$0x3FB2] =	sst s8  }
0x11: {  	[smem:$0x3FB3] =	sst s9;
	s0 =	simm.s32 @!p0 $0x0  }
0x12: {  	s1 =	sld [smem:$0x3F99];
	s0 =	simm.s32 @p0 $0x1  }
0x13: {  	[smem:$0x3FB4] =	sst s0;
	s0 =	simm.s32 @!p1 $0x0  }
0x14: {  	s2 =	sld [smem:$0x3F98];
	s0 =	simm.s32 @p1 $0x1  }
0x15: {  	[smem:$0x3FB5] =	sst s0;
	s0 =	simm.s32 @!p2 $0x0  }
0x16: {  	s3 =	sld [smem:$0x3FDB];
	s0 =	simm.s32 @p2 $0x1  }
0x17: {  	s4 =	simm.s32 $0x1BF5;
	[smem:$0x3FB7] =	sst s0  }
0x18: {  	s0 =	sld [smem:$0x3F9A];
	_ =	swait.ge [sflag:s4], $0x0  }
0x19: {  	s7 =	sld [smem:$0x3F9B]  }
0x1a: {  	s8 =	sadd.s32 $0xFFFFE003, lr  }
0x1b: {  	s9 =	sadd.s32 $0xFFFFFEF7, lr;
	s5 =	simm.s32 $0xFFFFFFFF;
	p2 =	slt.u32 s8, $0xFFFFF086  }
0x1c: {  	p1 =	slt.u32 s9, $0xF7A;
	s5 =	simm.s32 @!p2 $0x0  }
0x1d: {  	s5 =	simm.s32 @p1 $0x1;
	p0 =	seq.s32 s7, s2  }
0x1e: {  	s7 =	smul.u32 @!p0 $0xF7A, s2;
	p2 =	seq.s32 @!p0 s5, $0x0  }
0x1f: {  	s9 =	smul.u32 $0xF7A, s1;
	s8 =	simm.s32 @!p0 $0x1BF5;
	p2 =	por !p2, p0  }
0x20: {  	[sflag:s8] =	ssyncset.s32 @!p0 $0xFFFFF086;
	s6 =	sadd.s32 @!p0 s3, s7;
	s7 =	simm.s32 @!p0 $0x108  }
0x21: {  	s3 =	sadd.s32 s3, s9;
	s6 =	sadd.s32 @!p0 $0x88, s6;
	s7 =	simm.s32 @p2 $0x1082  }
0x22: {  	[simem:s7], [sflag:s8] =	dma.local @!p0 [hbm:s6], $0xF7A  }
0x23: {  	s9 =	sor.u32 $0xD0000000, s2;
	s6 =	simm.s32 $0x108;
	_ =	swait.ge @!p0 [sflag:s8], $0x0  }
0x24: {  	s3 =	sadd.s32 $0x88, s3;
	s6 =	simm.s32 @!p1 $0x1082;
	[sflag:s4] =	ssyncset.s32 $0xFFFFF086  }
0x25: {  	[simem:s6], [sflag:s4] =	dma.local [hbm:s3], $0xF7A  }
0x26: {  	[smem:$0x3F9B] =	sst s1;
	(tag) =	ssettag s2;
	_ =	strace s9  }
0x27: {  	s1 =	sld [smem:$0x3FAB]  }
0x28: {  	s2 =	sld [smem:$0x3FAC]  }
0x29: {  	s4 =	sld [smem:$0x3FAE]  }
0x2a: {  	p0 =	seq.s32 s5, $0x0;
	s5 =	sld [smem:$0x3FAF]  }
0x2b: {  	s6 =	sld [smem:$0x3FB0]  }
0x2c: {  	s7 =	sld [smem:$0x3FB1]  }
0x2d: {  	s3 =	simm.s32 $0x108;
	s8 =	sld [smem:$0x3FB2]  }
0x2e: {  	s3 =	simm.s32 @!p0 $0x1082;
	s9 =	sld [smem:$0x3FB3]  }
0x2f: {  	lr =	sadd.s32 s0, s3;
	s0 =	sld [smem:$0x3FAA]  }
0x30: {  	s3 =	sld [smem:$0x3FAD]  }
0x31: {  	[smem:$0x3FB6] =	sst s10  }
0x32: {  	s10 =	sld [smem:$0x3FB4];
	_ =	sdelay $0x3  }
0x33: {  	p0 =	seq.s32 s10, $0x1;
	s10 =	sld [smem:$0x3FB6];
	_ =	sdelay $0x3  }
0x34: {  	[smem:$0x3FB6] =	sst s10  }
0x35: {  	s10 =	sld [smem:$0x3FB5];
	_ =	sdelay $0x3  }
0x36: {  	p1 =	seq.s32 s10, $0x1;
	s10 =	sld [smem:$0x3FB6];
	_ =	sdelay $0x3  }
0x37: {  	[smem:$0x3FB6] =	sst s10  }
0x38: {  	s10 =	sld [smem:$0x3FB7]  }
0x39: {  	_ = 	snop;
	(pc) =	sbr.ind lr, $3  }
0x3a: {  	_ = 	snop  }
0x3b: {  	_ = 	snop  }
0x3c: {  	p2 =	seq.s32 s10, $0x1;
	s10 =	sld [smem:$0x3FB6]  }
0x3d: {  	_ =	shalt  }
0x3e: {  	_ =	shalt  }
0x3f: {  	_ =	shalt  }
0x40: {  	_ =	shalt  }
0x41: {  	_ =	shalt  }
0x42: {  	_ =	shalt  }
0x43: {  	_ =	shalt  }
0x44: {  	_ =	shalt  }
0x45: {  	_ =	shalt  }
0x46: {  	_ =	shalt  }
0x47: {  	_ =	shalt  }
0x48: {  	_ =	shalt  }
0x49: {  	_ =	shalt  }
0x4a: {  	_ =	shalt  }
0x4b: {  	_ =	shalt  }
0x4c: {  	_ =	shalt  }
0x4d: {  	_ =	shalt  }
0x4e: {  	_ =	shalt  }
0x4f: {  	_ =	shalt  }
0x50: {  	_ =	shalt  }
0x51: {  	_ =	shalt  }
0x52: {  	_ =	shalt  }
0x53: {  	_ =	shalt  }
0x54: {  	_ =	shalt  }
0x55: {  	_ =	shalt  }
0x56: {  	_ =	shalt  }
0x57: {  	_ =	shalt  }
0x58: {  	_ =	shalt  }
0x59: {  	_ =	shalt  }
0x5a: {  	_ =	shalt  }
0x5b: {  	_ =	shalt  }
0x5c: {  	_ =	shalt  }
0x5d: {  	_ =	shalt  }
0x5e: {  	_ =	shalt  }
0x5f: {  	_ =	shalt  }
0x60: {  	_ =	shalt  }
0x61: {  	_ =	shalt  }
0x62: {  	_ =	shalt  }
0x63: {  	_ =	shalt  }
0x64: {  	_ =	shalt  }
0x65: {  	_ =	shalt  }
0x66: {  	_ =	shalt  }
0x67: {  	_ =	shalt  }
0x68: {  	_ =	shalt  }
0x69: {  	_ =	shalt  }
0x6a: {  	_ =	shalt  }
0x6b: {  	_ =	shalt  }
0x6c: {  	_ =	shalt  }
0x6d: {  	_ =	shalt  }
0x6e: {  	_ =	shalt  }
0x6f: {  	_ =	shalt  }
0x70: {  	_ =	shalt  }
0x71: {  	_ =	shalt  }
0x72: {  	_ =	shalt  }
0x73: {  	_ =	shalt  }
0x74: {  	_ =	shalt  }
0x75: {  	_ =	shalt  }
0x76: {  	_ =	shalt  }
0x77: {  	_ =	shalt  }
0x78: {  	_ =	shalt  }
0x79: {  	_ =	shalt  }
0x7a: {  	_ =	shalt  }
0x7b: {  	_ =	shalt  }
0x7c: {  	_ =	shalt  }
0x7d: {  	_ =	shalt  }
0x7e: {  	_ =	shalt  }
0x7f: {  	_ =	shalt  }
0x80: {  	_ =	shalt  }
0x81: {  	_ =	shalt  }
0x82: {  	_ =	shalt  }
0x83: {  	_ =	shalt  }
0x84: {  	_ =	shalt  }
0x85: {  	_ =	shalt  }
0x86: {  	_ =	shalt  }
0x87: {  	_ =	shalt  }
.Lfunc_end0:
.L_simem_size_0:
called_computation_lowered:
.L_overlay_start_0:
0x88: {  	s2 =	sld [smem:$0x3FD9]  }
0x89: {  	s3 =	sld [smem:$0x3FFE];
	_ =	sdelay $0x1  }
0x8a: {  	s1 =	srdreg.scid  }
0x8b: {  	s0 =	sand.u32 $0x1, s1  }
0x8c: {  	s17 =	sshll.u32 s0, $0xA;
	s2 =	sadd.s32 s3, s2  }
0x8d: {  	s2 =	sadd.s32 s2, s17  }
0x8e: {  	[smem:$0x3FC2] =	sst s2  }
0x8f: {  	_ = 	snop  }
0x90: {  	s2 =	sld [smem:$0x3FD0];
	(tm) =	ssettm $0x1  }
0x91: {  	s18 =	sld [smem:$0x3FFB];
	_ =	sdelay $0x3  }
0x92: {  	_ =	strace s18  }
0x93: {  	s3 =	sld [smem:$0x3FFC];
	_ =	sdelay $0x3  }
0x94: {  	_ =	strace s3  }
0x95: {  	s3 =	sld [smem:$0x3FFD];
	_ =	sdelay $0x3  }
0x96: {  	_ =	strace s3  }
0x97: {  	_ =	strace $0x8FFFFFFF  }
0x98: {  	s19 =	sld [smem:$0x3FDB];
	_ =	sdelay $0x1  }
0x99: {  	s4 =	simm.s32 $_scs_section_size  }
0x9a: {  	s5 =	simm.s32 $_size__tile_overlayer_lowered;
	s6 =	simm.s32 $_tile_overlayer_lowered  }
0x9b: {  	s22 =	simm.s32 $0x1BFF;
	s21 =	sshll.u32 s6, $0x1;
	s3 =	sadd.s32 s4, s19  }
0x9c: {  	s7 =	simm.s32 $0x0;
	s20 =	sshll.u32 s5, $0x1;
	s5 =	sadd.s32 s21, s3  }
0x9d: {  	[timem:s7], [sflag:s22] =	dma.local [hbm:s5], s20  }
0x9e: {  	_ =	swait.ge [sflag:s22], s20  }
0x9f: {  	s4 =	ssub.s32 $0x0, s20;
	[sflag:s22] =	ssyncset.done $0x0  }
0xa0: {  	[sflag:s22] =	ssyncadd.s32 s4;
	_ =	sdelay $0x1  }
0xa1: {  	s23 =	simm.s32 $0x1B8B  }
0xa2: {  	_ =	swait.ge [sflag:s23], $0x1  }
0xa3: {  	[sflag:s23] =	ssyncset.done $0x0  }
0xa4: {  	s25 =	simm.s32 $0x1B8E;
	s24 =	sld [smem:$0x3FFE];
	[sflag:s23] =	ssyncadd.s32 $0xFFFFFFFF  }
0xa5: {  	s26 =	simm.s32 $execute0_lowered;
	[smem:$0x3FD2] =	sst s25  }
0xa6: {  	s5 =	sshll.u32 s26, $0x1;
	_ =	strace $0x80000046;
	[dreg:$0x1] =	wrdreg $0xFFFFFFFF  }
0xa7: {  	s28 =	simm.s32 $_size_execute0_lowered;
	s3 =	sadd.s32 s3, s5;
	[dreg:$0x0] =	wrdreg $0x0  }
0xa8: {  	s5 =	sshll.u32 s28, $0x1;
	[dreg:$0x2] =	wrdreg s3  }
0xa9: {  	[dreg:$0x3] =	wrdreg s5  }
0xaa: {  	[dreg:$0x4] =	wrdreg $0xC0  }
0xab: {  	_ =	task [dreg:s7], $0x5FFFF  }
0xac: {  	[dreg:$0x1] =	wrdreg $0xFFFFFFFF  }
0xad: {  	[dreg:$0x0] =	wrdreg $0x60  }
0xae: {  	[dreg:$0x2] =	wrdreg s24  }
0xaf: {  	[dreg:$0x3] =	wrdreg s2  }
0xb0: {  	[dreg:$0x4] =	wrdreg $0xACD00  }
0xb1: {  	[dreg:$0x5] =	wrdreg $0x9  }
0xb2: {  	_ =	task.clear_ibuf [dreg:s7], $0x6FFFF;
	_ =	strace $0x90000046  }
0xb3: {  	s29 =	simm.s32 $0x9;
	_ =	strace $0x80000048  }
0xb4: {  	_ =	swait.ge [sflag:s29], $0x1  }
0xb5: {  	[sflag:s29] =	ssyncadd.s32 $0xFFFFFFFF  }
0xb6: {  	_ =	strace $0x90000048  }
0xb7: {  	_ =	sfence  }
0xb8: {  	s30 =	sld [smem:$0x0];
	_ =	sdelay $0x2  }
0xb9: {  	s31 =	sshll.u32 s1, $0xD;
	s1 =	sshrl.u32 s1, $0x2  }
0xba: {  	s3 =	sand.u32 $0x4000, s31;
	s1 =	sadd.s32 s1, s30  }
0xbb: {  	s0 =	sor.u32 s3, s0;
	s1 =	sshll.u32 s1, $0x11  }
0xbc: {  	s0 =	sor.u32 s1, s0  }
0xbd: {  	s0 =	sadd.s32 $0x8F2B, s0  }
0xbe: {  	[sflag:s0] =	ssyncadd.remote.s32 $0x1  }
0xbf: {  	_ =	sfence.sel $0xFFFF  }
0xc0: {  	[dreg:$0x0] =	wrdreg $0xFFFFFFFF;
	(pc) =	sbr.abs _section_cstart, $3  }
0xc1: {  	[dreg:$0x1] =	wrdreg $0xFFFFFFFF  }
0xc2: {  	_ =	task.clear_ibuf [dreg:s7], $0x2FFFF;
	_ =	strace $0x9FFFFFFF  }
0xc3: {  	(tm) =	ssettm $0x7FFFFFFF  }
tec
execute0_lowered:
.L_overlay_start_1:
0x0: {  	(tag) =	ssettag $0x1  }
0x1: {  	s4 =	rddreg [dreg:$0x0]  }
0x2: {  	s5 =	rddreg [dreg:$0x1]  }
0x3: {  	s0 =	srdreg.scid;
	s2 =	rddreg [dreg:$0x2]  }
0x4: {  	s1 =	rddreg [dreg:$0x3];
	s3 =	simm.s32 $0x0;
	s6 =	sand.u32 $0x1, s0  }
0x5: {  	s12 =	simm.s32 $0x84D0;
	s0 =	stileid.u32;
	s7 =	smul.u32 $0x27100, s6  }
0x6: {  	s13 =	simm.s32 $0x1;
	s14 =	simm.s32 $0x7D0;
	s8 =	smul.u32 $0x2710, s0  }
0x7: {  	s17 =	simm.s32 $0x0;
	[smem:$0x7FF] =	sst s3;
	s9 =	smul.u32 $0x2800, s0  }
0x8: {  	s10 =	smul.u32 $0x28000, s6;
	_ =	strace $0x80000047;
	s6 =	ssub.s32 $0x2, s6  }
0x9: {  	s15 =	sshll.u32 s0, $0x6;
	s29 =	sshrl.u32 s6, $0x1;
	s7 =	sadd.s32 s8, s7  }
0xa: {  	s15 =	sor.u32 $0x1C01, s15;
	s10 =	sadd.s32 s9, s10;
	s7 =	sshrl.u32 s7, $0x3  }
0xb: {  	s30 =	ssub.s32 s6, s29;
	s31 =	sshrl.u32 s10, $0x3;
	s11 =	sadd.s32 s7, s4  }
0xc: {  	s4 =	sadd.s32 s9, s2;
	s5 =	sadd.s32 s5, s31;
	s7 =	smax.u32 s30, $0x1  }
0xd: {  	s6 =	sadd.s32 $0x2600, s11;
	s8 =	sadd.s32 $0x26FA, s11;
	s9 =	sadd.s32 $0x27F4, s11  }
0xe: {  	v0 =	vimm.f32 $1.000000000e+00;
	v1 =	vimm.f32 $0.0e+00;
	s10 =	sadd.s32 $0x28EE, s11;
	s11 =	sadd.s32 $0x29E8, s11;
	s16 =	sshrl.u32 s4, $0x3  }
.LBB2_1:
0xf: {  	s18 =	simm.s32 $0x0  }
.LBB2_2:
0x10: {  	p0 =	sne.s32 s18, $0x1F3C0  }
.Ltmp0:
0x11: {  	_ = 	snop;
	(pc) =	sbr.rel @p0 .LBB2_2-.Ltmp0, $3  }
0x12: {  	_ =	sdelay $0x1  }
0x13: {  	s19 =	sshra.s32 s18, $0x2  }
0x14: {  	s18 =	sadd.s32 $0x40, s18;
	[tilespmem:s19+$0x7D0] =	vst v0  }
0x15: {  	s18 =	simm.s32 $0x40;
	s19 =	simm.s32 $0x0  }
.LBB2_4:
0x16: {  	p0 =	sne.s32 s18, $0x9FC0;
	[tilespmem:s19+$0x84D0] =	vst v1;
	s19 =	smov.u32 s18;
	s18 =	sadd.s32 $0x40, s18  }
.Ltmp1:
0x17: {  	(pc) =	sbr.rel @p0 .LBB2_4-.Ltmp1, $2  }
0x18: {  	_ =	sdelay $0x2  }
0x19: {  	s19 =	sshra.s32 s19, $0x2  }
0x1a: {  	[tilespmem:s19+$0x84D0] =	vst v1  }
0x1b: {  	[spmem:s4] =	stream.linear.scatter [tilespmem:s12], [sflag:$0x1], $0x2800, $0x38;
	[tilespmem:$0xD4D0] =	vst v63  }
0x1c: {  	_ =	swait.ge [sflag:s13], $0x2800  }
0x1d: {  	[sflag:s13] =	ssyncset.done $0x0  }
0x1e: {  	[sflag:s13] =	ssyncadd.s32 $0xFFFFD800  }
0x1f: {  	[bflag:$0x0] =	sbarrier.arrive $0xFFFF  }
0x20: {  	[tilespmem:s3], [sflag:$0x1] =	stream.linear.gather [hbm4b:s6+s3], $0x7D0, $0x38;
	[tilespmem:$0xD4D0] =	vst v63  }
0x21: {  	_ =	swait.ge [sflag:s13], $0x7D0  }
0x22: {  	[sflag:s13] =	ssyncset.done $0x0  }
0x23: {  	[sflag:s13] =	ssyncadd.s32 $0xFFFFF830  }
0x24: {  	[spmem:s2] =	stream.indirect.scatter.add.f32 [tilespmem:s14], [sflag:$0x1], $0x10, s3, s14, $0xb8;
	[tilespmem:$0xD4D0] =	vst v63  }
0x25: {  	_ =	swait.ge [sflag:s13], $0x7D00  }
0x26: {  	[sflag:s13] =	ssyncset.done $0x0  }
0x27: {  	[sflag:s13] =	ssyncadd.s32 $0xFFFF8300  }
0x28: {  	[tilespmem:s3], [sflag:$0x1] =	stream.linear.gather [hbm4b:s8+s3], $0x7D0, $0x38;
	[tilespmem:$0xD4D0] =	vst v63  }
0x29: {  	_ =	swait.ge [sflag:s13], $0x7D0  }
0x2a: {  	[sflag:s13] =	ssyncset.done $0x0  }
0x2b: {  	[sflag:s13] =	ssyncadd.s32 $0xFFFFF830  }
0x2c: {  	[spmem:s2] =	stream.indirect.scatter.add.f32 [tilespmem:s14], [sflag:$0x1], $0x10, s3, s14, $0xb8;
	[tilespmem:$0xD4D0] =	vst v63  }
0x2d: {  	_ =	swait.ge [sflag:s13], $0x7D00  }
0x2e: {  	[sflag:s13] =	ssyncset.done $0x0  }
0x2f: {  	[sflag:s13] =	ssyncadd.s32 $0xFFFF8300  }
0x30: {  	[tilespmem:s3], [sflag:$0x1] =	stream.linear.gather [hbm4b:s9+s3], $0x7D0, $0x38;
	[tilespmem:$0xD4D0] =	vst v63  }
0x31: {  	_ =	swait.ge [sflag:s13], $0x7D0  }
0x32: {  	[sflag:s13] =	ssyncset.done $0x0  }
0x33: {  	[sflag:s13] =	ssyncadd.s32 $0xFFFFF830  }
0x34: {  	[spmem:s2] =	stream.indirect.scatter.add.f32 [tilespmem:s14], [sflag:$0x1], $0x10, s3, s14, $0xb8;
	[tilespmem:$0xD4D0] =	vst v63  }
0x35: {  	_ =	swait.ge [sflag:s13], $0x7D00  }
0x36: {  	[sflag:s13] =	ssyncset.done $0x0  }
0x37: {  	[sflag:s13] =	ssyncadd.s32 $0xFFFF8300  }
0x38: {  	[tilespmem:s3], [sflag:$0x1] =	stream.linear.gather [hbm4b:s10+s3], $0x7D0, $0x38;
	[tilespmem:$0xD4D0] =	vst v63  }
0x39: {  	_ =	swait.ge [sflag:s13], $0x7D0  }
0x3a: {  	[sflag:s13] =	ssyncset.done $0x0  }
0x3b: {  	[sflag:s13] =	ssyncadd.s32 $0xFFFFF830  }
0x3c: {  	[spmem:s2] =	stream.indirect.scatter.add.f32 [tilespmem:s14], [sflag:$0x1], $0x10, s3, s14, $0xb8;
	[tilespmem:$0xD4D0] =	vst v63  }
0x3d: {  	_ =	swait.ge [sflag:s13], $0x7D00  }
0x3e: {  	[sflag:s13] =	ssyncset.done $0x0  }
0x3f: {  	[sflag:s13] =	ssyncadd.s32 $0xFFFF8300  }
0x40: {  	[tilespmem:s3], [sflag:$0x1] =	stream.linear.gather [hbm4b:s11+s3], $0x7D0, $0x38;
	[tilespmem:$0xD4D0] =	vst v63  }
0x41: {  	_ =	swait.ge [sflag:s13], $0x7D0  }
0x42: {  	[sflag:s13] =	ssyncset.done $0x0  }
0x43: {  	[sflag:s13] =	ssyncadd.s32 $0xFFFFF830  }
0x44: {  	[spmem:s2] =	stream.indirect.scatter.add.f32 [tilespmem:s14], [sflag:$0x1], $0x10, s3, s14, $0xb8;
	[tilespmem:$0xD4D0] =	vst v63  }
0x45: {  	_ =	swait.ge [sflag:s13], $0x7D00  }
0x46: {  	s17 =	sadd.s32 $0x1, s17;
	[sflag:s13] =	ssyncset.done $0x0  }
0x47: {  	p0 =	sne.s32 s17, s7;
	[sflag:s13] =	ssyncadd.s32 $0xFFFF8300  }
.Ltmp2:
0x48: {  	[bflag:$0x0] =	sbarrier.arrive $0xFFFF;
	(pc) =	sbr.rel @p0 .LBB2_1-.Ltmp2, $4  }
0x49: {  	[hbm:s5], [sflag:s15] =	dma.local [spmem:s16], $0x500  }
0x4a: {  	_ =	swait.ge [sflag:s13], $0x500  }
0x4b: {  	[sflag:s13] =	ssyncset.done $0x0  }
0x4c: {  	[sflag:s13] =	ssyncadd.s32 $0xFFFFFB00  }
0x4d: {  	_ =	sfence.sel $0x180000  }
0x4e: {  	[bflag:$0x0] =	sbarrier.arrive $0xFFFF  }
0x4f: {  	p0 =	sne.s32 s0, $0x0;
	_ =	strace $0x90000047  }
0x50: {  	s0 =	sadd.s32 @!p0 $0x100000, s1;
	[bflag:$0x2] =	sbarrier.arrive $0xFFFF  }
0x51: {  	[sflag:s0] =	ssyncadd.tile.s32 @!p0 $0x1;
	_ =	shalt  }
.Lfunc_end2:
_tile_overlayer_lowered:
.L_overlay_start_2:
0x52: {  	(tag) =	ssettag $0x2  }
0x53: {  	s0 =	rddreg [dreg:$0x0];
	s2 =	stileid.u32  }
0x54: {  	s1 =	rddreg [dreg:$0x1];
	p0 =	sne.s32 s2, $0x0  }
0x55: {  	s3 =	rddreg [dreg:$0x2];
	[bflag:$0x3] =	sbarrier.arrive $0xFFFF;
	s2 =	simm.s32 @!p0 $0x1C01  }
0x56: {  	[timem:s3], [sflag:s2] =	dma.local @!p0 [hbm:s0], s1  }
0x57: {  	s0 =	simm.s32 @!p0 $0x1  }
0x58: {  	_ =	swait.ge @!p0 [sflag:s0], s1  }
0x59: {  	s1 =	ssub.s32 @!p0 $0x0, s1;
	[sflag:s0] =	ssyncset.done @!p0 $0x0  }
0x5a: {  	[sflag:s0] =	ssyncadd.s32 @!p0 s1  }
0x5b: {  	[bflag:$0x3] =	sbarrier.arrive $0xFFFF  }
0x5c: {  	_ =	shalt  }

</sc_bundles>
